<compile_context>
chip_gen: v7x
topology: tpu7x:2x2x1
jax: 0.10.2.dev20260603
libtpu: 0.0.44.dev20260713+nightly
codegen_flags: <defaults>
</compile_context>

<pallas_src>
import functools

import jax
import jax.numpy as jnp
from jax import lax
from jax.experimental import pallas as pl
from jax.experimental.pallas import tpu as pltpu
from jax.experimental.pallas import tpu_sc as plsc

_RB = 16


def kernel(hist, idx, logs):
    B = hist.shape[1]
    V = logs.shape[0] - 1

    info = plsc.get_sparse_core_info()
    NC, NS, L = info.num_cores, info.num_subcores, info.num_lanes
    NW = NC * NS
    CH = -(-V // NW)
    CH = -(-CH // (2 * _RB)) * (2 * _RB)
    npair = CH // (2 * _RB)

    mesh = plsc.VectorSubcoreMesh(core_axis_name="c", subcore_axis_name="s")

    @functools.partial(
        pl.kernel,
        mesh=mesh,
        out_type=jax.ShapeDtypeStruct((V, B), jnp.float32),
        scratch_types=[
            pltpu.VMEM((CH,), jnp.float32),
            pltpu.VMEM((_RB, B), jnp.float32),
            pltpu.VMEM((_RB, B), jnp.float32),
            pltpu.SemaphoreType.DMA,
            pltpu.SemaphoreType.DMA,
        ],
        compiler_params=pltpu.CompilerParams(needs_layout_passes=False),
    )
    def bcast_t(logs_hbm, out_hbm, lg_v, buf0, buf1, sem0, sem1):
        wid = lax.axis_index("s") * NC + lax.axis_index("c")
        base = jnp.minimum(wid * CH, V - CH)
        pltpu.sync_copy(logs_hbm.at[pl.ds(base, CH)], lg_v)
        bufs = (buf0, buf1)
        sems = (sem0, sem1)

        col_idx = [lax.iota(jnp.int32, L) + j * L for j in range(B // L)]

        def fill(buf, ch):
            def row_body(r, carry):
                idx = jnp.full((L,), ch * _RB + r, jnp.int32)
                vec = plsc.load_gather(lg_v, [idx])
                row_idx = jnp.full((L,), r, jnp.int32)
                for j in range(B // L):
                    plsc.store_scatter(buf, [row_idx, col_idx[j]], vec)
                return carry

            lax.fori_loop(0, _RB, row_body, 0)

        def start(p, ch):
            cp = pltpu.make_async_copy(
                bufs[p], out_hbm.at[pl.ds(base + ch * _RB, _RB)], sems[p]
            )
            cp.start()

        def drain(p, ch):
            pltpu.make_async_copy(
                bufs[p], out_hbm.at[pl.ds(base + ch * _RB, _RB)], sems[p]
            ).wait()

        for p in range(2):
            fill(bufs[p], p)
            start(p, p)

        def step(k2, carry):
            for p in range(2):
                ch = k2 * 2 + p
                drain(p, ch)
                fill(bufs[p], ch)
                start(p, ch)
            return carry

        lax.fori_loop(1, npair, step, 0)
        for p in range(2):
            drain(p, p)

    out_t = bcast_t(logs)
    return out_t.T

# --- scband reference (transcript-rebuilt; emitter-appended) ---
"""Pipeline reference for scband-lookup-language-model-64046552318419 (READ-ONLY COPY).

The authoritative reference and input builder live on the scoring server;
editing this copy changes nothing except your own understanding.
"""

import jax, jax.numpy as jnp
import numpy as np

V = 100000      # vocab_size
S = 200         # history length
B = 1024        # batch
SOS = -1        # sos outside [0, V) -> shift = 1 in LookupLanguageModel
SHIFT = 1
G = V + SHIFT   # length of the unigram 'logs' buffer (pointers/ids are empty for N==1)


def setup_inputs(seed: int = 0) -> dict:
    key = jax.random.key(seed)
    k1, k2 = jax.random.split(key)
    hist = jax.random.randint(k1, (S, B), 0, V, dtype=jnp.int32)
    idx = jax.random.randint(k2, (B,), 0, S, dtype=jnp.int32)
    # prob_dicts=None -> LookupLanguageModel builds a uniform unigram model:
    # max_ngram N == 1, pointers.numel()==0, ids.numel()==0,
    # logs buffer of length G = V + shift with every in-vocab log-prob = -log(V).
    logs = jnp.full((G,), -float(np.log(V)), dtype=jnp.float32)
    return {"hist": hist, "idx": idx, "logs": logs}


def reference(hist, idx, logs):
    # Faithful translation of _lookup_calc_idx_log_probs for the default
    # (prob_dicts=None) uniform-unigram LookupLanguageModel, i.e. N == 1.
    # In the torch code, hist is sliced/padded with sos and then, since N-1 == 0,
    # only cur_step = arange(V).view(1,1,V).expand(1,B,V) survives the concat.
    # The N == 1 fast path is then:
    #     logs_t = logs[:G].unsqueeze(0).expand(B, G)
    #     return logs_t.gather(1, hist[-1])   # hist[-1] == cur_step, values in [0, V)
    # which is a pure per-row gather of the unigram table -> output (B, V).
    B_ = hist.shape[1]
    cur_step = jnp.broadcast_to(jnp.arange(V, dtype=jnp.int32)[None, :], (B_, V))
    out = jnp.take(logs, cur_step, axis=0)  # gather, shape (B, V)
    return out

if __name__ == "__main__":
    import jax
    _d = setup_inputs()
    print(jax.jit(kernel)(*tuple(_d.values())))

</pallas_src>

<mosaic_0001>
#map = affine_map<(d0, d1) -> (0)>
#map1 = affine_map<(d0, d1) -> (0, 0)>
module attributes {stable_mosaic.version = 14 : i64} {
  func.func @bcast_t(%arg0: i32, %arg1: i32, %arg2: memref<100001xf32, #tpu.memory_space<hbm>>, %arg3: memref<100000x1024xf32, #tpu.memory_space<hbm>>, %arg4: memref<3136xf32, #tpu.memory_space<vmem>>, %arg5: memref<16x1024xf32, #tpu.memory_space<vmem>>, %arg6: memref<16x1024xf32, #tpu.memory_space<vmem>>, %arg7: memref<!tpu.dma_semaphore, #tpu.memory_space<semaphore_mem>>, %arg8: memref<!tpu.dma_semaphore, #tpu.memory_space<semaphore_mem>>) attributes {dimension_semantics = [#tpu.dimension_semantics<core_parallel>, #tpu.dimension_semantics<subcore_parallel>], iteration_bounds = array<i64: 2, 16>, scalar_prefetch = 0 : i64, scratch_operands = 5 : i64, tpu.core_type = #tpu.core_type<sc_vector_subcore>, window_params = [{transform_indices = #map}, {transform_indices = #map1}]} {
    %mul3A = arith.constant 2 : i32
    %mul3A_0 = arith.muli %arg1, %mul3A : i32
    %add3A = arith.addi %mul3A_0, %arg0 : i32
    %mul3A_1 = arith.constant 3136 : i32
    %mul3A_2 = arith.muli %add3A, %mul3A_1 : i32
    %min3A = arith.constant 96864 : i32
    %min3A_3 = arith.minsi %mul3A_2, %min3A : i32
    "tpu.region"() ({
      %run_scoped3A = tpu.sem_alloc : memref<!tpu.dma_semaphore, #tpu.memory_space<semaphore_mem>>
      %dma_start3A_298 = tpu.memref_slice %arg2[%min3A_3] : memref<100001xf32, #tpu.memory_space<hbm>> -> memref<3136xf32, #tpu.memory_space<hbm>>
      %dma_start3A_299 = tpu.memref_slice %arg2[%min3A_3] : memref<100001xf32, #tpu.memory_space<hbm>> -> memref<3136xf32, #tpu.memory_space<hbm>>
      tpu.enqueue_dma source(%dma_start3A_299 : memref<3136xf32, #tpu.memory_space<hbm>>) target(%arg4 : memref<3136xf32, #tpu.memory_space<vmem>>) target_semaphore(%run_scoped3A : memref<!tpu.dma_semaphore, #tpu.memory_space<semaphore_mem>>)
      %dma_wait3A_300 = tpu.memref_slice %arg2[%min3A_3] : memref<100001xf32, #tpu.memory_space<hbm>> -> memref<3136xf32, #tpu.memory_space<hbm>>
      %dma_wait3A_301 = tpu.memref_slice %arg2[%min3A_3] : memref<100001xf32, #tpu.memory_space<hbm>> -> memref<3136xf32, #tpu.memory_space<hbm>>
      tpu.wait_dma2 semaphore(%run_scoped3A : memref<!tpu.dma_semaphore, #tpu.memory_space<semaphore_mem>>) src(%dma_wait3A_301 : memref<3136xf32, #tpu.memory_space<hbm>>) dst(%arg4 : memref<3136xf32, #tpu.memory_space<vmem>>)
      tpu.yield
    }) : () -> ()
    %iota3A = tpu.iota {dimensions = array<i32: 0>} : vector<16xi32>
    %add3A_4 = arith.constant 0 : i32
    %add3A_5 = vector.broadcast %add3A_4 : i32 to vector<16xi32>
    %add3A_6 = arith.addi %iota3A, %add3A_5 : vector<16xi32>
    %iota3A_7 = tpu.iota {dimensions = array<i32: 0>} : vector<16xi32>
    %add3A_8 = arith.constant 16 : i32
    %add3A_9 = vector.broadcast %add3A_8 : i32 to vector<16xi32>
    %add3A_10 = arith.addi %iota3A_7, %add3A_9 : vector<16xi32>
    %iota3A_11 = tpu.iota {dimensions = array<i32: 0>} : vector<16xi32>
    %add3A_12 = arith.constant 32 : i32
    %add3A_13 = vector.broadcast %add3A_12 : i32 to vector<16xi32>
    %add3A_14 = arith.addi %iota3A_11, %add3A_13 : vector<16xi32>
    %iota3A_15 = tpu.iota {dimensions = array<i32: 0>} : vector<16xi32>
    %add3A_16 = arith.constant 48 : i32
    %add3A_17 = vector.broadcast %add3A_16 : i32 to vector<16xi32>
    %add3A_18 = arith.addi %iota3A_15, %add3A_17 : vector<16xi32>
    %iota3A_19 = tpu.iota {dimensions = array<i32: 0>} : vector<16xi32>
    %add3A_20 = arith.constant 64 : i32
    %add3A_21 = vector.broadcast %add3A_20 : i32 to vector<16xi32>
    %add3A_22 = arith.addi %iota3A_19, %add3A_21 : vector<16xi32>
    %iota3A_23 = tpu.iota {dimensions = array<i32: 0>} : vector<16xi32>
    %add3A_24 = arith.constant 80 : i32
    %add3A_25 = vector.broadcast %add3A_24 : i32 to vector<16xi32>
    %add3A_26 = arith.addi %iota3A_23, %add3A_25 : vector<16xi32>
    %iota3A_27 = tpu.iota {dimensions = array<i32: 0>} : vector<16xi32>
    %add3A_28 = arith.constant 96 : i32
    %add3A_29 = vector.broadcast %add3A_28 : i32 to vector<16xi32>
    %add3A_30 = arith.addi %iota3A_27, %add3A_29 : vector<16xi32>
    %iota3A_31 = tpu.iota {dimensions = array<i32: 0>} : vector<16xi32>
    %add3A_32 = arith.constant 112 : i32
    %add3A_33 = vector.broadcast %add3A_32 : i32 to vector<16xi32>
    %add3A_34 = arith.addi %iota3A_31, %add3A_33 : vector<16xi32>
    %iota3A_35 = tpu.iota {dimensions = array<i32: 0>} : vector<16xi32>
    %add3A_36 = arith.constant 128 : i32
    %add3A_37 = vector.broadcast %add3A_36 : i32 to vector<16xi32>
    %add3A_38 = arith.addi %iota3A_35, %add3A_37 : vector<16xi32>
    %iota3A_39 = tpu.iota {dimensions = array<i32: 0>} : vector<16xi32>
    %add3A_40 = arith.constant 144 : i32
    %add3A_41 = vector.broadcast %add3A_40 : i32 to vector<16xi32>
    %add3A_42 = arith.addi %iota3A_39, %add3A_41 : vector<16xi32>
    %iota3A_43 = tpu.iota {dimensions = array<i32: 0>} : vector<16xi32>
    %add3A_44 = arith.constant 160 : i32
    %add3A_45 = vector.broadcast %add3A_44 : i32 to vector<16xi32>
    %add3A_46 = arith.addi %iota3A_43, %add3A_45 : vector<16xi32>
    %iota3A_47 = tpu.iota {dimensions = array<i32: 0>} : vector<16xi32>
    %add3A_48 = arith.constant 176 : i32
    %add3A_49 = vector.broadcast %add3A_48 : i32 to vector<16xi32>
    %add3A_50 = arith.addi %iota3A_47, %add3A_49 : vector<16xi32>
    %iota3A_51 = tpu.iota {dimensions = array<i32: 0>} : vector<16xi32>
    %add3A_52 = arith.constant 192 : i32
    %add3A_53 = vector.broadcast %add3A_52 : i32 to vector<16xi32>
    %add3A_54 = arith.addi %iota3A_51, %add3A_53 : vector<16xi32>
    %iota3A_55 = tpu.iota {dimensions = array<i32: 0>} : vector<16xi32>
    %add3A_56 = arith.constant 208 : i32
    %add3A_57 = vector.broadcast %add3A_56 : i32 to vector<16xi32>
    %add3A_58 = arith.addi %iota3A_55, %add3A_57 : vector<16xi32>
    %iota3A_59 = tpu.iota {dimensions = array<i32: 0>} : vector<16xi32>
    %add3A_60 = arith.constant 224 : i32
    %add3A_61 = vector.broadcast %add3A_60 : i32 to vector<16xi32>
    %add3A_62 = arith.addi %iota3A_59, %add3A_61 : vector<16xi32>
    %iota3A_63 = tpu.iota {dimensions = array<i32: 0>} : vector<16xi32>
    %add3A_64 = arith.constant 240 : i32
    %add3A_65 = vector.broadcast %add3A_64 : i32 to vector<16xi32>
    %add3A_66 = arith.addi %iota3A_63, %add3A_65 : vector<16xi32>
    %iota3A_67 = tpu.iota {dimensions = array<i32: 0>} : vector<16xi32>
    %add3A_68 = arith.constant 256 : i32
    %add3A_69 = vector.broadcast %add3A_68 : i32 to vector<16xi32>
    %add3A_70 = arith.addi %iota3A_67, %add3A_69 : vector<16xi32>
    %iota3A_71 = tpu.iota {dimensions = array<i32: 0>} : vector<16xi32>
    %add3A_72 = arith.constant 272 : i32
    %add3A_73 = vector.broadcast %add3A_72 : i32 to vector<16xi32>
    %add3A_74 = arith.addi %iota3A_71, %add3A_73 : vector<16xi32>
    %iota3A_75 = tpu.iota {dimensions = array<i32: 0>} : vector<16xi32>
    %add3A_76 = arith.constant 288 : i32
    %add3A_77 = vector.broadcast %add3A_76 : i32 to vector<16xi32>
    %add3A_78 = arith.addi %iota3A_75, %add3A_77 : vector<16xi32>
    %iota3A_79 = tpu.iota {dimensions = array<i32: 0>} : vector<16xi32>
    %add3A_80 = arith.constant 304 : i32
    %add3A_81 = vector.broadcast %add3A_80 : i32 to vector<16xi32>
    %add3A_82 = arith.addi %iota3A_79, %add3A_81 : vector<16xi32>
    %iota3A_83 = tpu.iota {dimensions = array<i32: 0>} : vector<16xi32>
    %add3A_84 = arith.constant 320 : i32
    %add3A_85 = vector.broadcast %add3A_84 : i32 to vector<16xi32>
    %add3A_86 = arith.addi %iota3A_83, %add3A_85 : vector<16xi32>
    %iota3A_87 = tpu.iota {dimensions = array<i32: 0>} : vector<16xi32>
    %add3A_88 = arith.constant 336 : i32
    %add3A_89 = vector.broadcast %add3A_88 : i32 to vector<16xi32>
    %add3A_90 = arith.addi %iota3A_87, %add3A_89 : vector<16xi32>
    %iota3A_91 = tpu.iota {dimensions = array<i32: 0>} : vector<16xi32>
    %add3A_92 = arith.constant 352 : i32
    %add3A_93 = vector.broadcast %add3A_92 : i32 to vector<16xi32>
    %add3A_94 = arith.addi %iota3A_91, %add3A_93 : vector<16xi32>
    %iota3A_95 = tpu.iota {dimensions = array<i32: 0>} : vector<16xi32>
    %add3A_96 = arith.constant 368 : i32
    %add3A_97 = vector.broadcast %add3A_96 : i32 to vector<16xi32>
    %add3A_98 = arith.addi %iota3A_95, %add3A_97 : vector<16xi32>
    %iota3A_99 = tpu.iota {dimensions = array<i32: 0>} : vector<16xi32>
    %add3A_100 = arith.constant 384 : i32
    %add3A_101 = vector.broadcast %add3A_100 : i32 to vector<16xi32>
    %add3A_102 = arith.addi %iota3A_99, %add3A_101 : vector<16xi32>
    %iota3A_103 = tpu.iota {dimensions = array<i32: 0>} : vector<16xi32>
    %add3A_104 = arith.constant 400 : i32
    %add3A_105 = vector.broadcast %add3A_104 : i32 to vector<16xi32>
    %add3A_106 = arith.addi %iota3A_103, %add3A_105 : vector<16xi32>
    %iota3A_107 = tpu.iota {dimensions = array<i32: 0>} : vector<16xi32>
    %add3A_108 = arith.constant 416 : i32
    %add3A_109 = vector.broadcast %add3A_108 : i32 to vector<16xi32>
    %add3A_110 = arith.addi %iota3A_107, %add3A_109 : vector<16xi32>
    %iota3A_111 = tpu.iota {dimensions = array<i32: 0>} : vector<16xi32>
    %add3A_112 = arith.constant 432 : i32
    %add3A_113 = vector.broadcast %add3A_112 : i32 to vector<16xi32>
    %add3A_114 = arith.addi %iota3A_111, %add3A_113 : vector<16xi32>
    %iota3A_115 = tpu.iota {dimensions = array<i32: 0>} : vector<16xi32>
    %add3A_116 = arith.constant 448 : i32
    %add3A_117 = vector.broadcast %add3A_116 : i32 to vector<16xi32>
    %add3A_118 = arith.addi %iota3A_115, %add3A_117 : vector<16xi32>
    %iota3A_119 = tpu.iota {dimensions = array<i32: 0>} : vector<16xi32>
    %add3A_120 = arith.constant 464 : i32
    %add3A_121 = vector.broadcast %add3A_120 : i32 to vector<16xi32>
    %add3A_122 = arith.addi %iota3A_119, %add3A_121 : vector<16xi32>
    %iota3A_123 = tpu.iota {dimensions = array<i32: 0>} : vector<16xi32>
    %add3A_124 = arith.constant 480 : i32
    %add3A_125 = vector.broadcast %add3A_124 : i32 to vector<16xi32>
    %add3A_126 = arith.addi %iota3A_123, %add3A_125 : vector<16xi32>
    %iota3A_127 = tpu.iota {dimensions = array<i32: 0>} : vector<16xi32>
    %add3A_128 = arith.constant 496 : i32
    %add3A_129 = vector.broadcast %add3A_128 : i32 to vector<16xi32>
    %add3A_130 = arith.addi %iota3A_127, %add3A_129 : vector<16xi32>
    %iota3A_131 = tpu.iota {dimensions = array<i32: 0>} : vector<16xi32>
    %add3A_132 = arith.constant 512 : i32
    %add3A_133 = vector.broadcast %add3A_132 : i32 to vector<16xi32>
    %add3A_134 = arith.addi %iota3A_131, %add3A_133 : vector<16xi32>
    %iota3A_135 = tpu.iota {dimensions = array<i32: 0>} : vector<16xi32>
    %add3A_136 = arith.constant 528 : i32
    %add3A_137 = vector.broadcast %add3A_136 : i32 to vector<16xi32>
    %add3A_138 = arith.addi %iota3A_135, %add3A_137 : vector<16xi32>
    %iota3A_139 = tpu.iota {dimensions = array<i32: 0>} : vector<16xi32>
    %add3A_140 = arith.constant 544 : i32
    %add3A_141 = vector.broadcast %add3A_140 : i32 to vector<16xi32>
    %add3A_142 = arith.addi %iota3A_139, %add3A_141 : vector<16xi32>
    %iota3A_143 = tpu.iota {dimensions = array<i32: 0>} : vector<16xi32>
    %add3A_144 = arith.constant 560 : i32
    %add3A_145 = vector.broadcast %add3A_144 : i32 to vector<16xi32>
    %add3A_146 = arith.addi %iota3A_143, %add3A_145 : vector<16xi32>
    %iota3A_147 = tpu.iota {dimensions = array<i32: 0>} : vector<16xi32>
    %add3A_148 = arith.constant 576 : i32
    %add3A_149 = vector.broadcast %add3A_148 : i32 to vector<16xi32>
    %add3A_150 = arith.addi %iota3A_147, %add3A_149 : vector<16xi32>
    %iota3A_151 = tpu.iota {dimensions = array<i32: 0>} : vector<16xi32>
    %add3A_152 = arith.constant 592 : i32
    %add3A_153 = vector.broadcast %add3A_152 : i32 to vector<16xi32>
    %add3A_154 = arith.addi %iota3A_151, %add3A_153 : vector<16xi32>
    %iota3A_155 = tpu.iota {dimensions = array<i32: 0>} : vector<16xi32>
    %add3A_156 = arith.constant 608 : i32
    %add3A_157 = vector.broadcast %add3A_156 : i32 to vector<16xi32>
    %add3A_158 = arith.addi %iota3A_155, %add3A_157 : vector<16xi32>
    %iota3A_159 = tpu.iota {dimensions = array<i32: 0>} : vector<16xi32>
    %add3A_160 = arith.constant 624 : i32
    %add3A_161 = vector.broadcast %add3A_160 : i32 to vector<16xi32>
    %add3A_162 = arith.addi %iota3A_159, %add3A_161 : vector<16xi32>
    %iota3A_163 = tpu.iota {dimensions = array<i32: 0>} : vector<16xi32>
    %add3A_164 = arith.constant 640 : i32
    %add3A_165 = vector.broadcast %add3A_164 : i32 to vector<16xi32>
    %add3A_166 = arith.addi %iota3A_163, %add3A_165 : vector<16xi32>
    %iota3A_167 = tpu.iota {dimensions = array<i32: 0>} : vector<16xi32>
    %add3A_168 = arith.constant 656 : i32
    %add3A_169 = vector.broadcast %add3A_168 : i32 to vector<16xi32>
    %add3A_170 = arith.addi %iota3A_167, %add3A_169 : vector<16xi32>
    %iota3A_171 = tpu.iota {dimensions = array<i32: 0>} : vector<16xi32>
    %add3A_172 = arith.constant 672 : i32
    %add3A_173 = vector.broadcast %add3A_172 : i32 to vector<16xi32>
    %add3A_174 = arith.addi %iota3A_171, %add3A_173 : vector<16xi32>
    %iota3A_175 = tpu.iota {dimensions = array<i32: 0>} : vector<16xi32>
    %add3A_176 = arith.constant 688 : i32
    %add3A_177 = vector.broadcast %add3A_176 : i32 to vector<16xi32>
    %add3A_178 = arith.addi %iota3A_175, %add3A_177 : vector<16xi32>
    %iota3A_179 = tpu.iota {dimensions = array<i32: 0>} : vector<16xi32>
    %add3A_180 = arith.constant 704 : i32
    %add3A_181 = vector.broadcast %add3A_180 : i32 to vector<16xi32>
    %add3A_182 = arith.addi %iota3A_179, %add3A_181 : vector<16xi32>
    %iota3A_183 = tpu.iota {dimensions = array<i32: 0>} : vector<16xi32>
    %add3A_184 = arith.constant 720 : i32
    %add3A_185 = vector.broadcast %add3A_184 : i32 to vector<16xi32>
    %add3A_186 = arith.addi %iota3A_183, %add3A_185 : vector<16xi32>
    %iota3A_187 = tpu.iota {dimensions = array<i32: 0>} : vector<16xi32>
    %add3A_188 = arith.constant 736 : i32
    %add3A_189 = vector.broadcast %add3A_188 : i32 to vector<16xi32>
    %add3A_190 = arith.addi %iota3A_187, %add3A_189 : vector<16xi32>
    %iota3A_191 = tpu.iota {dimensions = array<i32: 0>} : vector<16xi32>
    %add3A_192 = arith.constant 752 : i32
    %add3A_193 = vector.broadcast %add3A_192 : i32 to vector<16xi32>
    %add3A_194 = arith.addi %iota3A_191, %add3A_193 : vector<16xi32>
    %iota3A_195 = tpu.iota {dimensions = array<i32: 0>} : vector<16xi32>
    %add3A_196 = arith.constant 768 : i32
    %add3A_197 = vector.broadcast %add3A_196 : i32 to vector<16xi32>
    %add3A_198 = arith.addi %iota3A_195, %add3A_197 : vector<16xi32>
    %iota3A_199 = tpu.iota {dimensions = array<i32: 0>} : vector<16xi32>
    %add3A_200 = arith.constant 784 : i32
    %add3A_201 = vector.broadcast %add3A_200 : i32 to vector<16xi32>
    %add3A_202 = arith.addi %iota3A_199, %add3A_201 : vector<16xi32>
    %iota3A_203 = tpu.iota {dimensions = array<i32: 0>} : vector<16xi32>
    %add3A_204 = arith.constant 800 : i32
    %add3A_205 = vector.broadcast %add3A_204 : i32 to vector<16xi32>
    %add3A_206 = arith.addi %iota3A_203, %add3A_205 : vector<16xi32>
    %iota3A_207 = tpu.iota {dimensions = array<i32: 0>} : vector<16xi32>
    %add3A_208 = arith.constant 816 : i32
    %add3A_209 = vector.broadcast %add3A_208 : i32 to vector<16xi32>
    %add3A_210 = arith.addi %iota3A_207, %add3A_209 : vector<16xi32>
    %iota3A_211 = tpu.iota {dimensions = array<i32: 0>} : vector<16xi32>
    %add3A_212 = arith.constant 832 : i32
    %add3A_213 = vector.broadcast %add3A_212 : i32 to vector<16xi32>
    %add3A_214 = arith.addi %iota3A_211, %add3A_213 : vector<16xi32>
    %iota3A_215 = tpu.iota {dimensions = array<i32: 0>} : vector<16xi32>
    %add3A_216 = arith.constant 848 : i32
    %add3A_217 = vector.broadcast %add3A_216 : i32 to vector<16xi32>
    %add3A_218 = arith.addi %iota3A_215, %add3A_217 : vector<16xi32>
    %iota3A_219 = tpu.iota {dimensions = array<i32: 0>} : vector<16xi32>
    %add3A_220 = arith.constant 864 : i32
    %add3A_221 = vector.broadcast %add3A_220 : i32 to vector<16xi32>
    %add3A_222 = arith.addi %iota3A_219, %add3A_221 : vector<16xi32>
    %iota3A_223 = tpu.iota {dimensions = array<i32: 0>} : vector<16xi32>
    %add3A_224 = arith.constant 880 : i32
    %add3A_225 = vector.broadcast %add3A_224 : i32 to vector<16xi32>
    %add3A_226 = arith.addi %iota3A_223, %add3A_225 : vector<16xi32>
    %iota3A_227 = tpu.iota {dimensions = array<i32: 0>} : vector<16xi32>
    %add3A_228 = arith.constant 896 : i32
    %add3A_229 = vector.broadcast %add3A_228 : i32 to vector<16xi32>
    %add3A_230 = arith.addi %iota3A_227, %add3A_229 : vector<16xi32>
    %iota3A_231 = tpu.iota {dimensions = array<i32: 0>} : vector<16xi32>
    %add3A_232 = arith.constant 912 : i32
    %add3A_233 = vector.broadcast %add3A_232 : i32 to vector<16xi32>
    %add3A_234 = arith.addi %iota3A_231, %add3A_233 : vector<16xi32>
    %iota3A_235 = tpu.iota {dimensions = array<i32: 0>} : vector<16xi32>
    %add3A_236 = arith.constant 928 : i32
    %add3A_237 = vector.broadcast %add3A_236 : i32 to vector<16xi32>
    %add3A_238 = arith.addi %iota3A_235, %add3A_237 : vector<16xi32>
    %iota3A_239 = tpu.iota {dimensions = array<i32: 0>} : vector<16xi32>
    %add3A_240 = arith.constant 944 : i32
    %add3A_241 = vector.broadcast %add3A_240 : i32 to vector<16xi32>
    %add3A_242 = arith.addi %iota3A_239, %add3A_241 : vector<16xi32>
    %iota3A_243 = tpu.iota {dimensions = array<i32: 0>} : vector<16xi32>
    %add3A_244 = arith.constant 960 : i32
    %add3A_245 = vector.broadcast %add3A_244 : i32 to vector<16xi32>
    %add3A_246 = arith.addi %iota3A_243, %add3A_245 : vector<16xi32>
    %iota3A_247 = tpu.iota {dimensions = array<i32: 0>} : vector<16xi32>
    %add3A_248 = arith.constant 976 : i32
    %add3A_249 = vector.broadcast %add3A_248 : i32 to vector<16xi32>
    %add3A_250 = arith.addi %iota3A_247, %add3A_249 : vector<16xi32>
    %iota3A_251 = tpu.iota {dimensions = array<i32: 0>} : vector<16xi32>
    %add3A_252 = arith.constant 992 : i32
    %add3A_253 = vector.broadcast %add3A_252 : i32 to vector<16xi32>
    %add3A_254 = arith.addi %iota3A_251, %add3A_253 : vector<16xi32>
    %iota3A_255 = tpu.iota {dimensions = array<i32: 0>} : vector<16xi32>
    %add3A_256 = arith.constant 1008 : i32
    %add3A_257 = vector.broadcast %add3A_256 : i32 to vector<16xi32>
    %add3A_258 = arith.addi %iota3A_255, %add3A_257 : vector<16xi32>
    %scan3A = arith.constant 0 : i32
    %scan3A_259 = arith.constant 0 : i32
    %scan3A_260 = arith.constant 16 : i32
    %scan3A_261 = arith.addi %scan3A_259, %scan3A_260 : i32
    %scan3A_262 = arith.constant 1 : i32
    scf.for %scan3A_298 = %scan3A_259 to %scan3A_261 step %scan3A_262  : i32 {
      %add3A_299 = arith.constant 0 : i32
      %add3A_300 = arith.addi %add3A_299, %scan3A_298 : i32
      %broadcast_in_dim3A = vector.broadcast %add3A_300 : i32 to vector<16xi32>
      %gather3A = tpu.vector_load_idx %arg4[%broadcast_in_dim3A] : memref<3136xf32, #tpu.memory_space<vmem>>[vector<16xi32>], vector<16xf32>,
      %broadcast_in_dim3A_301 = vector.broadcast %scan3A_298 : i32 to vector<16xi32>
      tpu.vector_store_idx %arg5[%broadcast_in_dim3A_301, %add3A_6], %gather3A : memref<16x1024xf32, #tpu.memory_space<vmem>>[vector<16xi32>, vector<16xi32>], vector<16xf32>,
      tpu.vector_store_idx %arg5[%broadcast_in_dim3A_301, %add3A_10], %gather3A : memref<16x1024xf32, #tpu.memory_space<vmem>>[vector<16xi32>, vector<16xi32>], vector<16xf32>,
      tpu.vector_store_idx %arg5[%broadcast_in_dim3A_301, %add3A_14], %gather3A : memref<16x1024xf32, #tpu.memory_space<vmem>>[vector<16xi32>, vector<16xi32>], vector<16xf32>,
      tpu.vector_store_idx %arg5[%broadcast_in_dim3A_301, %add3A_18], %gather3A : memref<16x1024xf32, #tpu.memory_space<vmem>>[vector<16xi32>, vector<16xi32>], vector<16xf32>,
      tpu.vector_store_idx %arg5[%broadcast_in_dim3A_301, %add3A_22], %gather3A : memref<16x1024xf32, #tpu.memory_space<vmem>>[vector<16xi32>, vector<16xi32>], vector<16xf32>,
      tpu.vector_store_idx %arg5[%broadcast_in_dim3A_301, %add3A_26], %gather3A : memref<16x1024xf32, #tpu.memory_space<vmem>>[vector<16xi32>, vector<16xi32>], vector<16xf32>,
      tpu.vector_store_idx %arg5[%broadcast_in_dim3A_301, %add3A_30], %gather3A : memref<16x1024xf32, #tpu.memory_space<vmem>>[vector<16xi32>, vector<16xi32>], vector<16xf32>,
      tpu.vector_store_idx %arg5[%broadcast_in_dim3A_301, %add3A_34], %gather3A : memref<16x1024xf32, #tpu.memory_space<vmem>>[vector<16xi32>, vector<16xi32>], vector<16xf32>,
      tpu.vector_store_idx %arg5[%broadcast_in_dim3A_301, %add3A_38], %gather3A : memref<16x1024xf32, #tpu.memory_space<vmem>>[vector<16xi32>, vector<16xi32>], vector<16xf32>,
      tpu.vector_store_idx %arg5[%broadcast_in_dim3A_301, %add3A_42], %gather3A : memref<16x1024xf32, #tpu.memory_space<vmem>>[vector<16xi32>, vector<16xi32>], vector<16xf32>,
      tpu.vector_store_idx %arg5[%broadcast_in_dim3A_301, %add3A_46], %gather3A : memref<16x1024xf32, #tpu.memory_space<vmem>>[vector<16xi32>, vector<16xi32>], vector<16xf32>,
      tpu.vector_store_idx %arg5[%broadcast_in_dim3A_301, %add3A_50], %gather3A : memref<16x1024xf32, #tpu.memory_space<vmem>>[vector<16xi32>, vector<16xi32>], vector<16xf32>,
      tpu.vector_store_idx %arg5[%broadcast_in_dim3A_301, %add3A_54], %gather3A : memref<16x1024xf32, #tpu.memory_space<vmem>>[vector<16xi32>, vector<16xi32>], vector<16xf32>,
      tpu.vector_store_idx %arg5[%broadcast_in_dim3A_301, %add3A_58], %gather3A : memref<16x1024xf32, #tpu.memory_space<vmem>>[vector<16xi32>, vector<16xi32>], vector<16xf32>,
      tpu.vector_store_idx %arg5[%broadcast_in_dim3A_301, %add3A_62], %gather3A : memref<16x1024xf32, #tpu.memory_space<vmem>>[vector<16xi32>, vector<16xi32>], vector<16xf32>,
      tpu.vector_store_idx %arg5[%broadcast_in_dim3A_301, %add3A_66], %gather3A : memref<16x1024xf32, #tpu.memory_space<vmem>>[vector<16xi32>, vector<16xi32>], vector<16xf32>,
      tpu.vector_store_idx %arg5[%broadcast_in_dim3A_301, %add3A_70], %gather3A : memref<16x1024xf32, #tpu.memory_space<vmem>>[vector<16xi32>, vector<16xi32>], vector<16xf32>,
      tpu.vector_store_idx %arg5[%broadcast_in_dim3A_301, %add3A_74], %gather3A : memref<16x1024xf32, #tpu.memory_space<vmem>>[vector<16xi32>, vector<16xi32>], vector<16xf32>,
      tpu.vector_store_idx %arg5[%broadcast_in_dim3A_301, %add3A_78], %gather3A : memref<16x1024xf32, #tpu.memory_space<vmem>>[vector<16xi32>, vector<16xi32>], vector<16xf32>,
      tpu.vector_store_idx %arg5[%broadcast_in_dim3A_301, %add3A_82], %gather3A : memref<16x1024xf32, #tpu.memory_space<vmem>>[vector<16xi32>, vector<16xi32>], vector<16xf32>,
      tpu.vector_store_idx %arg5[%broadcast_in_dim3A_301, %add3A_86], %gather3A : memref<16x1024xf32, #tpu.memory_space<vmem>>[vector<16xi32>, vector<16xi32>], vector<16xf32>,
      tpu.vector_store_idx %arg5[%broadcast_in_dim3A_301, %add3A_90], %gather3A : memref<16x1024xf32, #tpu.memory_space<vmem>>[vector<16xi32>, vector<16xi32>], vector<16xf32>,
      tpu.vector_store_idx %arg5[%broadcast_in_dim3A_301, %add3A_94], %gather3A : memref<16x1024xf32, #tpu.memory_space<vmem>>[vector<16xi32>, vector<16xi32>], vector<16xf32>,
      tpu.vector_store_idx %arg5[%broadcast_in_dim3A_301, %add3A_98], %gather3A : memref<16x1024xf32, #tpu.memory_space<vmem>>[vector<16xi32>, vector<16xi32>], vector<16xf32>,
      tpu.vector_store_idx %arg5[%broadcast_in_dim3A_301, %add3A_102], %gather3A : memref<16x1024xf32, #tpu.memory_space<vmem>>[vector<16xi32>, vector<16xi32>], vector<16xf32>,
      tpu.vector_store_idx %arg5[%broadcast_in_dim3A_301, %add3A_106], %gather3A : memref<16x1024xf32, #tpu.memory_space<vmem>>[vector<16xi32>, vector<16xi32>], vector<16xf32>,
      tpu.vector_store_idx %arg5[%broadcast_in_dim3A_301, %add3A_110], %gather3A : memref<16x1024xf32, #tpu.memory_space<vmem>>[vector<16xi32>, vector<16xi32>], vector<16xf32>,
      tpu.vector_store_idx %arg5[%broadcast_in_dim3A_301, %add3A_114], %gather3A : memref<16x1024xf32, #tpu.memory_space<vmem>>[vector<16xi32>, vector<16xi32>], vector<16xf32>,
      tpu.vector_store_idx %arg5[%broadcast_in_dim3A_301, %add3A_118], %gather3A : memref<16x1024xf32, #tpu.memory_space<vmem>>[vector<16xi32>, vector<16xi32>], vector<16xf32>,
      tpu.vector_store_idx %arg5[%broadcast_in_dim3A_301, %add3A_122], %gather3A : memref<16x1024xf32, #tpu.memory_space<vmem>>[vector<16xi32>, vector<16xi32>], vector<16xf32>,
      tpu.vector_store_idx %arg5[%broadcast_in_dim3A_301, %add3A_126], %gather3A : memref<16x1024xf32, #tpu.memory_space<vmem>>[vector<16xi32>, vector<16xi32>], vector<16xf32>,
      tpu.vector_store_idx %arg5[%broadcast_in_dim3A_301, %add3A_130], %gather3A : memref<16x1024xf32, #tpu.memory_space<vmem>>[vector<16xi32>, vector<16xi32>], vector<16xf32>,
      tpu.vector_store_idx %arg5[%broadcast_in_dim3A_301, %add3A_134], %gather3A : memref<16x1024xf32, #tpu.memory_space<vmem>>[vector<16xi32>, vector<16xi32>], vector<16xf32>,
      tpu.vector_store_idx %arg5[%broadcast_in_dim3A_301, %add3A_138], %gather3A : memref<16x1024xf32, #tpu.memory_space<vmem>>[vector<16xi32>, vector<16xi32>], vector<16xf32>,
      tpu.vector_store_idx %arg5[%broadcast_in_dim3A_301, %add3A_142], %gather3A : memref<16x1024xf32, #tpu.memory_space<vmem>>[vector<16xi32>, vector<16xi32>], vector<16xf32>,
      tpu.vector_store_idx %arg5[%broadcast_in_dim3A_301, %add3A_146], %gather3A : memref<16x1024xf32, #tpu.memory_space<vmem>>[vector<16xi32>, vector<16xi32>], vector<16xf32>,
      tpu.vector_store_idx %arg5[%broadcast_in_dim3A_301, %add3A_150], %gather3A : memref<16x1024xf32, #tpu.memory_space<vmem>>[vector<16xi32>, vector<16xi32>], vector<16xf32>,
      tpu.vector_store_idx %arg5[%broadcast_in_dim3A_301, %add3A_154], %gather3A : memref<16x1024xf32, #tpu.memory_space<vmem>>[vector<16xi32>, vector<16xi32>], vector<16xf32>,
      tpu.vector_store_idx %arg5[%broadcast_in_dim3A_301, %add3A_158], %gather3A : memref<16x1024xf32, #tpu.memory_space<vmem>>[vector<16xi32>, vector<16xi32>], vector<16xf32>,
      tpu.vector_store_idx %arg5[%broadcast_in_dim3A_301, %add3A_162], %gather3A : memref<16x1024xf32, #tpu.memory_space<vmem>>[vector<16xi32>, vector<16xi32>], vector<16xf32>,
      tpu.vector_store_idx %arg5[%broadcast_in_dim3A_301, %add3A_166], %gather3A : memref<16x1024xf32, #tpu.memory_space<vmem>>[vector<16xi32>, vector<16xi32>], vector<16xf32>,
      tpu.vector_store_idx %arg5[%broadcast_in_dim3A_301, %add3A_170], %gather3A : memref<16x1024xf32, #tpu.memory_space<vmem>>[vector<16xi32>, vector<16xi32>], vector<16xf32>,
      tpu.vector_store_idx %arg5[%broadcast_in_dim3A_301, %add3A_174], %gather3A : memref<16x1024xf32, #tpu.memory_space<vmem>>[vector<16xi32>, vector<16xi32>], vector<16xf32>,
      tpu.vector_store_idx %arg5[%broadcast_in_dim3A_301, %add3A_178], %gather3A : memref<16x1024xf32, #tpu.memory_space<vmem>>[vector<16xi32>, vector<16xi32>], vector<16xf32>,
      tpu.vector_store_idx %arg5[%broadcast_in_dim3A_301, %add3A_182], %gather3A : memref<16x1024xf32, #tpu.memory_space<vmem>>[vector<16xi32>, vector<16xi32>], vector<16xf32>,
      tpu.vector_store_idx %arg5[%broadcast_in_dim3A_301, %add3A_186], %gather3A : memref<16x1024xf32, #tpu.memory_space<vmem>>[vector<16xi32>, vector<16xi32>], vector<16xf32>,
      tpu.vector_store_idx %arg5[%broadcast_in_dim3A_301, %add3A_190], %gather3A : memref<16x1024xf32, #tpu.memory_space<vmem>>[vector<16xi32>, vector<16xi32>], vector<16xf32>,
      tpu.vector_store_idx %arg5[%broadcast_in_dim3A_301, %add3A_194], %gather3A : memref<16x1024xf32, #tpu.memory_space<vmem>>[vector<16xi32>, vector<16xi32>], vector<16xf32>,
      tpu.vector_store_idx %arg5[%broadcast_in_dim3A_301, %add3A_198], %gather3A : memref<16x1024xf32, #tpu.memory_space<vmem>>[vector<16xi32>, vector<16xi32>], vector<16xf32>,
      tpu.vector_store_idx %arg5[%broadcast_in_dim3A_301, %add3A_202], %gather3A : memref<16x1024xf32, #tpu.memory_space<vmem>>[vector<16xi32>, vector<16xi32>], vector<16xf32>,
      tpu.vector_store_idx %arg5[%broadcast_in_dim3A_301, %add3A_206], %gather3A : memref<16x1024xf32, #tpu.memory_space<vmem>>[vector<16xi32>, vector<16xi32>], vector<16xf32>,
      tpu.vector_store_idx %arg5[%broadcast_in_dim3A_301, %add3A_210], %gather3A : memref<16x1024xf32, #tpu.memory_space<vmem>>[vector<16xi32>, vector<16xi32>], vector<16xf32>,
      tpu.vector_store_idx %arg5[%broadcast_in_dim3A_301, %add3A_214], %gather3A : memref<16x1024xf32, #tpu.memory_space<vmem>>[vector<16xi32>, vector<16xi32>], vector<16xf32>,
      tpu.vector_store_idx %arg5[%broadcast_in_dim3A_301, %add3A_218], %gather3A : memref<16x1024xf32, #tpu.memory_space<vmem>>[vector<16xi32>, vector<16xi32>], vector<16xf32>,
      tpu.vector_store_idx %arg5[%broadcast_in_dim3A_301, %add3A_222], %gather3A : memref<16x1024xf32, #tpu.memory_space<vmem>>[vector<16xi32>, vector<16xi32>], vector<16xf32>,
      tpu.vector_store_idx %arg5[%broadcast_in_dim3A_301, %add3A_226], %gather3A : memref<16x1024xf32, #tpu.memory_space<vmem>>[vector<16xi32>, vector<16xi32>], vector<16xf32>,
      tpu.vector_store_idx %arg5[%broadcast_in_dim3A_301, %add3A_230], %gather3A : memref<16x1024xf32, #tpu.memory_space<vmem>>[vector<16xi32>, vector<16xi32>], vector<16xf32>,
      tpu.vector_store_idx %arg5[%broadcast_in_dim3A_301, %add3A_234], %gather3A : memref<16x1024xf32, #tpu.memory_space<vmem>>[vector<16xi32>, vector<16xi32>], vector<16xf32>,
      tpu.vector_store_idx %arg5[%broadcast_in_dim3A_301, %add3A_238], %gather3A : memref<16x1024xf32, #tpu.memory_space<vmem>>[vector<16xi32>, vector<16xi32>], vector<16xf32>,
      tpu.vector_store_idx %arg5[%broadcast_in_dim3A_301, %add3A_242], %gather3A : memref<16x1024xf32, #tpu.memory_space<vmem>>[vector<16xi32>, vector<16xi32>], vector<16xf32>,
      tpu.vector_store_idx %arg5[%broadcast_in_dim3A_301, %add3A_246], %gather3A : memref<16x1024xf32, #tpu.memory_space<vmem>>[vector<16xi32>, vector<16xi32>], vector<16xf32>,
      tpu.vector_store_idx %arg5[%broadcast_in_dim3A_301, %add3A_250], %gather3A : memref<16x1024xf32, #tpu.memory_space<vmem>>[vector<16xi32>, vector<16xi32>], vector<16xf32>,
      tpu.vector_store_idx %arg5[%broadcast_in_dim3A_301, %add3A_254], %gather3A : memref<16x1024xf32, #tpu.memory_space<vmem>>[vector<16xi32>, vector<16xi32>], vector<16xf32>,
      tpu.vector_store_idx %arg5[%broadcast_in_dim3A_301, %add3A_258], %gather3A : memref<16x1024xf32, #tpu.memory_space<vmem>>[vector<16xi32>, vector<16xi32>], vector<16xf32>,
    }
    %scan3A_263 = arith.constant 16 : i32
    %add3A_264 = arith.constant 0 : i32
    %add3A_265 = arith.addi %min3A_3, %add3A_264 : i32
    %dma_start3A = arith.constant 0 : i32
    %dma_start3A_266 = tpu.memref_slice %arg3[%add3A_265, %dma_start3A] : memref<100000x1024xf32, #tpu.memory_space<hbm>> -> memref<16x1024xf32, #tpu.memory_space<hbm>>
    %dma_start3A_267 = arith.constant 0 : i32
    %dma_start3A_268 = tpu.memref_slice %arg3[%add3A_265, %dma_start3A_267] : memref<100000x1024xf32, #tpu.memory_space<hbm>> -> memref<16x1024xf32, #tpu.memory_space<hbm>>
    tpu.enqueue_dma source(%arg5 : memref<16x1024xf32, #tpu.memory_space<vmem>>) target(%dma_start3A_268 : memref<16x1024xf32, #tpu.memory_space<hbm>>) target_semaphore(%arg7 : memref<!tpu.dma_semaphore, #tpu.memory_space<semaphore_mem>>)
    %scan3A_269 = arith.constant 0 : i32
    %scan3A_270 = arith.constant 0 : i32
    %scan3A_271 = arith.constant 16 : i32
    %scan3A_272 = arith.addi %scan3A_270, %scan3A_271 : i32
    %scan3A_273 = arith.constant 1 : i32
    scf.for %scan3A_298 = %scan3A_270 to %scan3A_272 step %scan3A_273  : i32 {
      %add3A_299 = arith.constant 16 : i32
      %add3A_300 = arith.addi %add3A_299, %scan3A_298 : i32
      %broadcast_in_dim3A = vector.broadcast %add3A_300 : i32 to vector<16xi32>
      %gather3A = tpu.vector_load_idx %arg4[%broadcast_in_dim3A] : memref<3136xf32, #tpu.memory_space<vmem>>[vector<16xi32>], vector<16xf32>,
      %broadcast_in_dim3A_301 = vector.broadcast %scan3A_298 : i32 to vector<16xi32>
      tpu.vector_store_idx %arg6[%broadcast_in_dim3A_301, %add3A_6], %gather3A : memref<16x1024xf32, #tpu.memory_space<vmem>>[vector<16xi32>, vector<16xi32>], vector<16xf32>,
      tpu.vector_store_idx %arg6[%broadcast_in_dim3A_301, %add3A_10], %gather3A : memref<16x1024xf32, #tpu.memory_space<vmem>>[vector<16xi32>, vector<16xi32>], vector<16xf32>,
      tpu.vector_store_idx %arg6[%broadcast_in_dim3A_301, %add3A_14], %gather3A : memref<16x1024xf32, #tpu.memory_space<vmem>>[vector<16xi32>, vector<16xi32>], vector<16xf32>,
      tpu.vector_store_idx %arg6[%broadcast_in_dim3A_301, %add3A_18], %gather3A : memref<16x1024xf32, #tpu.memory_space<vmem>>[vector<16xi32>, vector<16xi32>], vector<16xf32>,
      tpu.vector_store_idx %arg6[%broadcast_in_dim3A_301, %add3A_22], %gather3A : memref<16x1024xf32, #tpu.memory_space<vmem>>[vector<16xi32>, vector<16xi32>], vector<16xf32>,
      tpu.vector_store_idx %arg6[%broadcast_in_dim3A_301, %add3A_26], %gather3A : memref<16x1024xf32, #tpu.memory_space<vmem>>[vector<16xi32>, vector<16xi32>], vector<16xf32>,
      tpu.vector_store_idx %arg6[%broadcast_in_dim3A_301, %add3A_30], %gather3A : memref<16x1024xf32, #tpu.memory_space<vmem>>[vector<16xi32>, vector<16xi32>], vector<16xf32>,
      tpu.vector_store_idx %arg6[%broadcast_in_dim3A_301, %add3A_34], %gather3A : memref<16x1024xf32, #tpu.memory_space<vmem>>[vector<16xi32>, vector<16xi32>], vector<16xf32>,
      tpu.vector_store_idx %arg6[%broadcast_in_dim3A_301, %add3A_38], %gather3A : memref<16x1024xf32, #tpu.memory_space<vmem>>[vector<16xi32>, vector<16xi32>], vector<16xf32>,
      tpu.vector_store_idx %arg6[%broadcast_in_dim3A_301, %add3A_42], %gather3A : memref<16x1024xf32, #tpu.memory_space<vmem>>[vector<16xi32>, vector<16xi32>], vector<16xf32>,
      tpu.vector_store_idx %arg6[%broadcast_in_dim3A_301, %add3A_46], %gather3A : memref<16x1024xf32, #tpu.memory_space<vmem>>[vector<16xi32>, vector<16xi32>], vector<16xf32>,
      tpu.vector_store_idx %arg6[%broadcast_in_dim3A_301, %add3A_50], %gather3A : memref<16x1024xf32, #tpu.memory_space<vmem>>[vector<16xi32>, vector<16xi32>], vector<16xf32>,
      tpu.vector_store_idx %arg6[%broadcast_in_dim3A_301, %add3A_54], %gather3A : memref<16x1024xf32, #tpu.memory_space<vmem>>[vector<16xi32>, vector<16xi32>], vector<16xf32>,
      tpu.vector_store_idx %arg6[%broadcast_in_dim3A_301, %add3A_58], %gather3A : memref<16x1024xf32, #tpu.memory_space<vmem>>[vector<16xi32>, vector<16xi32>], vector<16xf32>,
      tpu.vector_store_idx %arg6[%broadcast_in_dim3A_301, %add3A_62], %gather3A : memref<16x1024xf32, #tpu.memory_space<vmem>>[vector<16xi32>, vector<16xi32>], vector<16xf32>,
      tpu.vector_store_idx %arg6[%broadcast_in_dim3A_301, %add3A_66], %gather3A : memref<16x1024xf32, #tpu.memory_space<vmem>>[vector<16xi32>, vector<16xi32>], vector<16xf32>,
      tpu.vector_store_idx %arg6[%broadcast_in_dim3A_301, %add3A_70], %gather3A : memref<16x1024xf32, #tpu.memory_space<vmem>>[vector<16xi32>, vector<16xi32>], vector<16xf32>,
      tpu.vector_store_idx %arg6[%broadcast_in_dim3A_301, %add3A_74], %gather3A : memref<16x1024xf32, #tpu.memory_space<vmem>>[vector<16xi32>, vector<16xi32>], vector<16xf32>,
      tpu.vector_store_idx %arg6[%broadcast_in_dim3A_301, %add3A_78], %gather3A : memref<16x1024xf32, #tpu.memory_space<vmem>>[vector<16xi32>, vector<16xi32>], vector<16xf32>,
      tpu.vector_store_idx %arg6[%broadcast_in_dim3A_301, %add3A_82], %gather3A : memref<16x1024xf32, #tpu.memory_space<vmem>>[vector<16xi32>, vector<16xi32>], vector<16xf32>,
      tpu.vector_store_idx %arg6[%broadcast_in_dim3A_301, %add3A_86], %gather3A : memref<16x1024xf32, #tpu.memory_space<vmem>>[vector<16xi32>, vector<16xi32>], vector<16xf32>,
      tpu.vector_store_idx %arg6[%broadcast_in_dim3A_301, %add3A_90], %gather3A : memref<16x1024xf32, #tpu.memory_space<vmem>>[vector<16xi32>, vector<16xi32>], vector<16xf32>,
      tpu.vector_store_idx %arg6[%broadcast_in_dim3A_301, %add3A_94], %gather3A : memref<16x1024xf32, #tpu.memory_space<vmem>>[vector<16xi32>, vector<16xi32>], vector<16xf32>,
      tpu.vector_store_idx %arg6[%broadcast_in_dim3A_301, %add3A_98], %gather3A : memref<16x1024xf32, #tpu.memory_space<vmem>>[vector<16xi32>, vector<16xi32>], vector<16xf32>,
      tpu.vector_store_idx %arg6[%broadcast_in_dim3A_301, %add3A_102], %gather3A : memref<16x1024xf32, #tpu.memory_space<vmem>>[vector<16xi32>, vector<16xi32>], vector<16xf32>,
      tpu.vector_store_idx %arg6[%broadcast_in_dim3A_301, %add3A_106], %gather3A : memref<16x1024xf32, #tpu.memory_space<vmem>>[vector<16xi32>, vector<16xi32>], vector<16xf32>,
      tpu.vector_store_idx %arg6[%broadcast_in_dim3A_301, %add3A_110], %gather3A : memref<16x1024xf32, #tpu.memory_space<vmem>>[vector<16xi32>, vector<16xi32>], vector<16xf32>,
      tpu.vector_store_idx %arg6[%broadcast_in_dim3A_301, %add3A_114], %gather3A : memref<16x1024xf32, #tpu.memory_space<vmem>>[vector<16xi32>, vector<16xi32>], vector<16xf32>,
      tpu.vector_store_idx %arg6[%broadcast_in_dim3A_301, %add3A_118], %gather3A : memref<16x1024xf32, #tpu.memory_space<vmem>>[vector<16xi32>, vector<16xi32>], vector<16xf32>,
      tpu.vector_store_idx %arg6[%broadcast_in_dim3A_301, %add3A_122], %gather3A : memref<16x1024xf32, #tpu.memory_space<vmem>>[vector<16xi32>, vector<16xi32>], vector<16xf32>,
      tpu.vector_store_idx %arg6[%broadcast_in_dim3A_301, %add3A_126], %gather3A : memref<16x1024xf32, #tpu.memory_space<vmem>>[vector<16xi32>, vector<16xi32>], vector<16xf32>,
      tpu.vector_store_idx %arg6[%broadcast_in_dim3A_301, %add3A_130], %gather3A : memref<16x1024xf32, #tpu.memory_space<vmem>>[vector<16xi32>, vector<16xi32>], vector<16xf32>,
      tpu.vector_store_idx %arg6[%broadcast_in_dim3A_301, %add3A_134], %gather3A : memref<16x1024xf32, #tpu.memory_space<vmem>>[vector<16xi32>, vector<16xi32>], vector<16xf32>,
      tpu.vector_store_idx %arg6[%broadcast_in_dim3A_301, %add3A_138], %gather3A : memref<16x1024xf32, #tpu.memory_space<vmem>>[vector<16xi32>, vector<16xi32>], vector<16xf32>,
      tpu.vector_store_idx %arg6[%broadcast_in_dim3A_301, %add3A_142], %gather3A : memref<16x1024xf32, #tpu.memory_space<vmem>>[vector<16xi32>, vector<16xi32>], vector<16xf32>,
      tpu.vector_store_idx %arg6[%broadcast_in_dim3A_301, %add3A_146], %gather3A : memref<16x1024xf32, #tpu.memory_space<vmem>>[vector<16xi32>, vector<16xi32>], vector<16xf32>,
      tpu.vector_store_idx %arg6[%broadcast_in_dim3A_301, %add3A_150], %gather3A : memref<16x1024xf32, #tpu.memory_space<vmem>>[vector<16xi32>, vector<16xi32>], vector<16xf32>,
      tpu.vector_store_idx %arg6[%broadcast_in_dim3A_301, %add3A_154], %gather3A : memref<16x1024xf32, #tpu.memory_space<vmem>>[vector<16xi32>, vector<16xi32>], vector<16xf32>,
      tpu.vector_store_idx %arg6[%broadcast_in_dim3A_301, %add3A_158], %gather3A : memref<16x1024xf32, #tpu.memory_space<vmem>>[vector<16xi32>, vector<16xi32>], vector<16xf32>,
      tpu.vector_store_idx %arg6[%broadcast_in_dim3A_301, %add3A_162], %gather3A : memref<16x1024xf32, #tpu.memory_space<vmem>>[vector<16xi32>, vector<16xi32>], vector<16xf32>,
      tpu.vector_store_idx %arg6[%broadcast_in_dim3A_301, %add3A_166], %gather3A : memref<16x1024xf32, #tpu.memory_space<vmem>>[vector<16xi32>, vector<16xi32>], vector<16xf32>,
      tpu.vector_store_idx %arg6[%broadcast_in_dim3A_301, %add3A_170], %gather3A : memref<16x1024xf32, #tpu.memory_space<vmem>>[vector<16xi32>, vector<16xi32>], vector<16xf32>,
      tpu.vector_store_idx %arg6[%broadcast_in_dim3A_301, %add3A_174], %gather3A : memref<16x1024xf32, #tpu.memory_space<vmem>>[vector<16xi32>, vector<16xi32>], vector<16xf32>,
      tpu.vector_store_idx %arg6[%broadcast_in_dim3A_301, %add3A_178], %gather3A : memref<16x1024xf32, #tpu.memory_space<vmem>>[vector<16xi32>, vector<16xi32>], vector<16xf32>,
      tpu.vector_store_idx %arg6[%broadcast_in_dim3A_301, %add3A_182], %gather3A : memref<16x1024xf32, #tpu.memory_space<vmem>>[vector<16xi32>, vector<16xi32>], vector<16xf32>,
      tpu.vector_store_idx %arg6[%broadcast_in_dim3A_301, %add3A_186], %gather3A : memref<16x1024xf32, #tpu.memory_space<vmem>>[vector<16xi32>, vector<16xi32>], vector<16xf32>,
      tpu.vector_store_idx %arg6[%broadcast_in_dim3A_301, %add3A_190], %gather3A : memref<16x1024xf32, #tpu.memory_space<vmem>>[vector<16xi32>, vector<16xi32>], vector<16xf32>,
      tpu.vector_store_idx %arg6[%broadcast_in_dim3A_301, %add3A_194], %gather3A : memref<16x1024xf32, #tpu.memory_space<vmem>>[vector<16xi32>, vector<16xi32>], vector<16xf32>,
      tpu.vector_store_idx %arg6[%broadcast_in_dim3A_301, %add3A_198], %gather3A : memref<16x1024xf32, #tpu.memory_space<vmem>>[vector<16xi32>, vector<16xi32>], vector<16xf32>,
      tpu.vector_store_idx %arg6[%broadcast_in_dim3A_301, %add3A_202], %gather3A : memref<16x1024xf32, #tpu.memory_space<vmem>>[vector<16xi32>, vector<16xi32>], vector<16xf32>,
      tpu.vector_store_idx %arg6[%broadcast_in_dim3A_301, %add3A_206], %gather3A : memref<16x1024xf32, #tpu.memory_space<vmem>>[vector<16xi32>, vector<16xi32>], vector<16xf32>,
      tpu.vector_store_idx %arg6[%broadcast_in_dim3A_301, %add3A_210], %gather3A : memref<16x1024xf32, #tpu.memory_space<vmem>>[vector<16xi32>, vector<16xi32>], vector<16xf32>,
      tpu.vector_store_idx %arg6[%broadcast_in_dim3A_301, %add3A_214], %gather3A : memref<16x1024xf32, #tpu.memory_space<vmem>>[vector<16xi32>, vector<16xi32>], vector<16xf32>,
      tpu.vector_store_idx %arg6[%broadcast_in_dim3A_301, %add3A_218], %gather3A : memref<16x1024xf32, #tpu.memory_space<vmem>>[vector<16xi32>, vector<16xi32>], vector<16xf32>,
      tpu.vector_store_idx %arg6[%broadcast_in_dim3A_301, %add3A_222], %gather3A : memref<16x1024xf32, #tpu.memory_space<vmem>>[vector<16xi32>, vector<16xi32>], vector<16xf32>,
      tpu.vector_store_idx %arg6[%broadcast_in_dim3A_301, %add3A_226], %gather3A : memref<16x1024xf32, #tpu.memory_space<vmem>>[vector<16xi32>, vector<16xi32>], vector<16xf32>,
      tpu.vector_store_idx %arg6[%broadcast_in_dim3A_301, %add3A_230], %gather3A : memref<16x1024xf32, #tpu.memory_space<vmem>>[vector<16xi32>, vector<16xi32>], vector<16xf32>,
      tpu.vector_store_idx %arg6[%broadcast_in_dim3A_301, %add3A_234], %gather3A : memref<16x1024xf32, #tpu.memory_space<vmem>>[vector<16xi32>, vector<16xi32>], vector<16xf32>,
      tpu.vector_store_idx %arg6[%broadcast_in_dim3A_301, %add3A_238], %gather3A : memref<16x1024xf32, #tpu.memory_space<vmem>>[vector<16xi32>, vector<16xi32>], vector<16xf32>,
      tpu.vector_store_idx %arg6[%broadcast_in_dim3A_301, %add3A_242], %gather3A : memref<16x1024xf32, #tpu.memory_space<vmem>>[vector<16xi32>, vector<16xi32>], vector<16xf32>,
      tpu.vector_store_idx %arg6[%broadcast_in_dim3A_301, %add3A_246], %gather3A : memref<16x1024xf32, #tpu.memory_space<vmem>>[vector<16xi32>, vector<16xi32>], vector<16xf32>,
      tpu.vector_store_idx %arg6[%broadcast_in_dim3A_301, %add3A_250], %gather3A : memref<16x1024xf32, #tpu.memory_space<vmem>>[vector<16xi32>, vector<16xi32>], vector<16xf32>,
      tpu.vector_store_idx %arg6[%broadcast_in_dim3A_301, %add3A_254], %gather3A : memref<16x1024xf32, #tpu.memory_space<vmem>>[vector<16xi32>, vector<16xi32>], vector<16xf32>,
      tpu.vector_store_idx %arg6[%broadcast_in_dim3A_301, %add3A_258], %gather3A : memref<16x1024xf32, #tpu.memory_space<vmem>>[vector<16xi32>, vector<16xi32>], vector<16xf32>,
    }
    %scan3A_274 = arith.constant 16 : i32
    %add3A_275 = arith.constant 16 : i32
    %add3A_276 = arith.addi %min3A_3, %add3A_275 : i32
    %dma_start3A_277 = arith.constant 0 : i32
    %dma_start3A_278 = tpu.memref_slice %arg3[%add3A_276, %dma_start3A_277] : memref<100000x1024xf32, #tpu.memory_space<hbm>> -> memref<16x1024xf32, #tpu.memory_space<hbm>>
    %dma_start3A_279 = arith.constant 0 : i32
    %dma_start3A_280 = tpu.memref_slice %arg3[%add3A_276, %dma_start3A_279] : memref<100000x1024xf32, #tpu.memory_space<hbm>> -> memref<16x1024xf32, #tpu.memory_space<hbm>>
    tpu.enqueue_dma source(%arg6 : memref<16x1024xf32, #tpu.memory_space<vmem>>) target(%dma_start3A_280 : memref<16x1024xf32, #tpu.memory_space<hbm>>) target_semaphore(%arg8 : memref<!tpu.dma_semaphore, #tpu.memory_space<semaphore_mem>>)
    %scan3A_281 = arith.constant 0 : i32
    %scan3A_282 = arith.constant 1 : i32
    %scan3A_283 = arith.constant 97 : i32
    %scan3A_284 = arith.addi %scan3A_282, %scan3A_283 : i32
    %scan3A_285 = arith.constant 1 : i32
    scf.for %scan3A_298 = %scan3A_282 to %scan3A_284 step %scan3A_285  : i32 {
      %mul3A_299 = arith.constant 2 : i32
      %mul3A_300 = arith.muli %scan3A_298, %mul3A_299 : i32
      %add3A_301 = arith.constant 0 : i32
      %add3A_302 = arith.addi %mul3A_300, %add3A_301 : i32
      %mul3A_303 = arith.constant 16 : i32
      %mul3A_304 = arith.muli %add3A_302, %mul3A_303 : i32
      %add3A_305 = arith.addi %min3A_3, %mul3A_304 : i32
      %dma_wait3A_306 = arith.constant 0 : i32
      %dma_wait3A_307 = tpu.memref_slice %arg3[%add3A_305, %dma_wait3A_306] : memref<100000x1024xf32, #tpu.memory_space<hbm>> -> memref<16x1024xf32, #tpu.memory_space<hbm>>
      %dma_wait3A_308 = arith.constant 0 : i32
      %dma_wait3A_309 = tpu.memref_slice %arg3[%add3A_305, %dma_wait3A_308] : memref<100000x1024xf32, #tpu.memory_space<hbm>> -> memref<16x1024xf32, #tpu.memory_space<hbm>>
      tpu.wait_dma2 semaphore(%arg7 : memref<!tpu.dma_semaphore, #tpu.memory_space<semaphore_mem>>) src(%arg5 : memref<16x1024xf32, #tpu.memory_space<vmem>>) dst(%dma_wait3A_309 : memref<16x1024xf32, #tpu.memory_space<hbm>>)
      %scan3A_310 = arith.constant 0 : i32
      %scan3A_311 = arith.constant 0 : i32
      %scan3A_312 = arith.constant 16 : i32
      %scan3A_313 = arith.addi %scan3A_311, %scan3A_312 : i32
      %scan3A_314 = arith.constant 1 : i32
      scf.for %scan3A_347 = %scan3A_311 to %scan3A_313 step %scan3A_314  : i32 {
        %mul3A_348 = arith.constant 16 : i32
        %mul3A_349 = arith.muli %add3A_302, %mul3A_348 : i32
        %add3A_350 = arith.addi %mul3A_349, %scan3A_347 : i32
        %broadcast_in_dim3A = vector.broadcast %add3A_350 : i32 to vector<16xi32>
        %gather3A = tpu.vector_load_idx %arg4[%broadcast_in_dim3A] : memref<3136xf32, #tpu.memory_space<vmem>>[vector<16xi32>], vector<16xf32>,
        %broadcast_in_dim3A_351 = vector.broadcast %scan3A_347 : i32 to vector<16xi32>
        tpu.vector_store_idx %arg5[%broadcast_in_dim3A_351, %add3A_6], %gather3A : memref<16x1024xf32, #tpu.memory_space<vmem>>[vector<16xi32>, vector<16xi32>], vector<16xf32>,
        tpu.vector_store_idx %arg5[%broadcast_in_dim3A_351, %add3A_10], %gather3A : memref<16x1024xf32, #tpu.memory_space<vmem>>[vector<16xi32>, vector<16xi32>], vector<16xf32>,
        tpu.vector_store_idx %arg5[%broadcast_in_dim3A_351, %add3A_14], %gather3A : memref<16x1024xf32, #tpu.memory_space<vmem>>[vector<16xi32>, vector<16xi32>], vector<16xf32>,
        tpu.vector_store_idx %arg5[%broadcast_in_dim3A_351, %add3A_18], %gather3A : memref<16x1024xf32, #tpu.memory_space<vmem>>[vector<16xi32>, vector<16xi32>], vector<16xf32>,
        tpu.vector_store_idx %arg5[%broadcast_in_dim3A_351, %add3A_22], %gather3A : memref<16x1024xf32, #tpu.memory_space<vmem>>[vector<16xi32>, vector<16xi32>], vector<16xf32>,
        tpu.vector_store_idx %arg5[%broadcast_in_dim3A_351, %add3A_26], %gather3A : memref<16x1024xf32, #tpu.memory_space<vmem>>[vector<16xi32>, vector<16xi32>], vector<16xf32>,
        tpu.vector_store_idx %arg5[%broadcast_in_dim3A_351, %add3A_30], %gather3A : memref<16x1024xf32, #tpu.memory_space<vmem>>[vector<16xi32>, vector<16xi32>], vector<16xf32>,
        tpu.vector_store_idx %arg5[%broadcast_in_dim3A_351, %add3A_34], %gather3A : memref<16x1024xf32, #tpu.memory_space<vmem>>[vector<16xi32>, vector<16xi32>], vector<16xf32>,
        tpu.vector_store_idx %arg5[%broadcast_in_dim3A_351, %add3A_38], %gather3A : memref<16x1024xf32, #tpu.memory_space<vmem>>[vector<16xi32>, vector<16xi32>], vector<16xf32>,
        tpu.vector_store_idx %arg5[%broadcast_in_dim3A_351, %add3A_42], %gather3A : memref<16x1024xf32, #tpu.memory_space<vmem>>[vector<16xi32>, vector<16xi32>], vector<16xf32>,
        tpu.vector_store_idx %arg5[%broadcast_in_dim3A_351, %add3A_46], %gather3A : memref<16x1024xf32, #tpu.memory_space<vmem>>[vector<16xi32>, vector<16xi32>], vector<16xf32>,
        tpu.vector_store_idx %arg5[%broadcast_in_dim3A_351, %add3A_50], %gather3A : memref<16x1024xf32, #tpu.memory_space<vmem>>[vector<16xi32>, vector<16xi32>], vector<16xf32>,
        tpu.vector_store_idx %arg5[%broadcast_in_dim3A_351, %add3A_54], %gather3A : memref<16x1024xf32, #tpu.memory_space<vmem>>[vector<16xi32>, vector<16xi32>], vector<16xf32>,
        tpu.vector_store_idx %arg5[%broadcast_in_dim3A_351, %add3A_58], %gather3A : memref<16x1024xf32, #tpu.memory_space<vmem>>[vector<16xi32>, vector<16xi32>], vector<16xf32>,
        tpu.vector_store_idx %arg5[%broadcast_in_dim3A_351, %add3A_62], %gather3A : memref<16x1024xf32, #tpu.memory_space<vmem>>[vector<16xi32>, vector<16xi32>], vector<16xf32>,
        tpu.vector_store_idx %arg5[%broadcast_in_dim3A_351, %add3A_66], %gather3A : memref<16x1024xf32, #tpu.memory_space<vmem>>[vector<16xi32>, vector<16xi32>], vector<16xf32>,
        tpu.vector_store_idx %arg5[%broadcast_in_dim3A_351, %add3A_70], %gather3A : memref<16x1024xf32, #tpu.memory_space<vmem>>[vector<16xi32>, vector<16xi32>], vector<16xf32>,
        tpu.vector_store_idx %arg5[%broadcast_in_dim3A_351, %add3A_74], %gather3A : memref<16x1024xf32, #tpu.memory_space<vmem>>[vector<16xi32>, vector<16xi32>], vector<16xf32>,
        tpu.vector_store_idx %arg5[%broadcast_in_dim3A_351, %add3A_78], %gather3A : memref<16x1024xf32, #tpu.memory_space<vmem>>[vector<16xi32>, vector<16xi32>], vector<16xf32>,
        tpu.vector_store_idx %arg5[%broadcast_in_dim3A_351, %add3A_82], %gather3A : memref<16x1024xf32, #tpu.memory_space<vmem>>[vector<16xi32>, vector<16xi32>], vector<16xf32>,
        tpu.vector_store_idx %arg5[%broadcast_in_dim3A_351, %add3A_86], %gather3A : memref<16x1024xf32, #tpu.memory_space<vmem>>[vector<16xi32>, vector<16xi32>], vector<16xf32>,
        tpu.vector_store_idx %arg5[%broadcast_in_dim3A_351, %add3A_90], %gather3A : memref<16x1024xf32, #tpu.memory_space<vmem>>[vector<16xi32>, vector<16xi32>], vector<16xf32>,
        tpu.vector_store_idx %arg5[%broadcast_in_dim3A_351, %add3A_94], %gather3A : memref<16x1024xf32, #tpu.memory_space<vmem>>[vector<16xi32>, vector<16xi32>], vector<16xf32>,
        tpu.vector_store_idx %arg5[%broadcast_in_dim3A_351, %add3A_98], %gather3A : memref<16x1024xf32, #tpu.memory_space<vmem>>[vector<16xi32>, vector<16xi32>], vector<16xf32>,
        tpu.vector_store_idx %arg5[%broadcast_in_dim3A_351, %add3A_102], %gather3A : memref<16x1024xf32, #tpu.memory_space<vmem>>[vector<16xi32>, vector<16xi32>], vector<16xf32>,
        tpu.vector_store_idx %arg5[%broadcast_in_dim3A_351, %add3A_106], %gather3A : memref<16x1024xf32, #tpu.memory_space<vmem>>[vector<16xi32>, vector<16xi32>], vector<16xf32>,
        tpu.vector_store_idx %arg5[%broadcast_in_dim3A_351, %add3A_110], %gather3A : memref<16x1024xf32, #tpu.memory_space<vmem>>[vector<16xi32>, vector<16xi32>], vector<16xf32>,
        tpu.vector_store_idx %arg5[%broadcast_in_dim3A_351, %add3A_114], %gather3A : memref<16x1024xf32, #tpu.memory_space<vmem>>[vector<16xi32>, vector<16xi32>], vector<16xf32>,
        tpu.vector_store_idx %arg5[%broadcast_in_dim3A_351, %add3A_118], %gather3A : memref<16x1024xf32, #tpu.memory_space<vmem>>[vector<16xi32>, vector<16xi32>], vector<16xf32>,
        tpu.vector_store_idx %arg5[%broadcast_in_dim3A_351, %add3A_122], %gather3A : memref<16x1024xf32, #tpu.memory_space<vmem>>[vector<16xi32>, vector<16xi32>], vector<16xf32>,
        tpu.vector_store_idx %arg5[%broadcast_in_dim3A_351, %add3A_126], %gather3A : memref<16x1024xf32, #tpu.memory_space<vmem>>[vector<16xi32>, vector<16xi32>], vector<16xf32>,
        tpu.vector_store_idx %arg5[%broadcast_in_dim3A_351, %add3A_130], %gather3A : memref<16x1024xf32, #tpu.memory_space<vmem>>[vector<16xi32>, vector<16xi32>], vector<16xf32>,
        tpu.vector_store_idx %arg5[%broadcast_in_dim3A_351, %add3A_134], %gather3A : memref<16x1024xf32, #tpu.memory_space<vmem>>[vector<16xi32>, vector<16xi32>], vector<16xf32>,
        tpu.vector_store_idx %arg5[%broadcast_in_dim3A_351, %add3A_138], %gather3A : memref<16x1024xf32, #tpu.memory_space<vmem>>[vector<16xi32>, vector<16xi32>], vector<16xf32>,
        tpu.vector_store_idx %arg5[%broadcast_in_dim3A_351, %add3A_142], %gather3A : memref<16x1024xf32, #tpu.memory_space<vmem>>[vector<16xi32>, vector<16xi32>], vector<16xf32>,
        tpu.vector_store_idx %arg5[%broadcast_in_dim3A_351, %add3A_146], %gather3A : memref<16x1024xf32, #tpu.memory_space<vmem>>[vector<16xi32>, vector<16xi32>], vector<16xf32>,
        tpu.vector_store_idx %arg5[%broadcast_in_dim3A_351, %add3A_150], %gather3A : memref<16x1024xf32, #tpu.memory_space<vmem>>[vector<16xi32>, vector<16xi32>], vector<16xf32>,
        tpu.vector_store_idx %arg5[%broadcast_in_dim3A_351, %add3A_154], %gather3A : memref<16x1024xf32, #tpu.memory_space<vmem>>[vector<16xi32>, vector<16xi32>], vector<16xf32>,
        tpu.vector_store_idx %arg5[%broadcast_in_dim3A_351, %add3A_158], %gather3A : memref<16x1024xf32, #tpu.memory_space<vmem>>[vector<16xi32>, vector<16xi32>], vector<16xf32>,
        tpu.vector_store_idx %arg5[%broadcast_in_dim3A_351, %add3A_162], %gather3A : memref<16x1024xf32, #tpu.memory_space<vmem>>[vector<16xi32>, vector<16xi32>], vector<16xf32>,
        tpu.vector_store_idx %arg5[%broadcast_in_dim3A_351, %add3A_166], %gather3A : memref<16x1024xf32, #tpu.memory_space<vmem>>[vector<16xi32>, vector<16xi32>], vector<16xf32>,
        tpu.vector_store_idx %arg5[%broadcast_in_dim3A_351, %add3A_170], %gather3A : memref<16x1024xf32, #tpu.memory_space<vmem>>[vector<16xi32>, vector<16xi32>], vector<16xf32>,
        tpu.vector_store_idx %arg5[%broadcast_in_dim3A_351, %add3A_174], %gather3A : memref<16x1024xf32, #tpu.memory_space<vmem>>[vector<16xi32>, vector<16xi32>], vector<16xf32>,
        tpu.vector_store_idx %arg5[%broadcast_in_dim3A_351, %add3A_178], %gather3A : memref<16x1024xf32, #tpu.memory_space<vmem>>[vector<16xi32>, vector<16xi32>], vector<16xf32>,
        tpu.vector_store_idx %arg5[%broadcast_in_dim3A_351, %add3A_182], %gather3A : memref<16x1024xf32, #tpu.memory_space<vmem>>[vector<16xi32>, vector<16xi32>], vector<16xf32>,
        tpu.vector_store_idx %arg5[%broadcast_in_dim3A_351, %add3A_186], %gather3A : memref<16x1024xf32, #tpu.memory_space<vmem>>[vector<16xi32>, vector<16xi32>], vector<16xf32>,
        tpu.vector_store_idx %arg5[%broadcast_in_dim3A_351, %add3A_190], %gather3A : memref<16x1024xf32, #tpu.memory_space<vmem>>[vector<16xi32>, vector<16xi32>], vector<16xf32>,
        tpu.vector_store_idx %arg5[%broadcast_in_dim3A_351, %add3A_194], %gather3A : memref<16x1024xf32, #tpu.memory_space<vmem>>[vector<16xi32>, vector<16xi32>], vector<16xf32>,
        tpu.vector_store_idx %arg5[%broadcast_in_dim3A_351, %add3A_198], %gather3A : memref<16x1024xf32, #tpu.memory_space<vmem>>[vector<16xi32>, vector<16xi32>], vector<16xf32>,
        tpu.vector_store_idx %arg5[%broadcast_in_dim3A_351, %add3A_202], %gather3A : memref<16x1024xf32, #tpu.memory_space<vmem>>[vector<16xi32>, vector<16xi32>], vector<16xf32>,
        tpu.vector_store_idx %arg5[%broadcast_in_dim3A_351, %add3A_206], %gather3A : memref<16x1024xf32, #tpu.memory_space<vmem>>[vector<16xi32>, vector<16xi32>], vector<16xf32>,
        tpu.vector_store_idx %arg5[%broadcast_in_dim3A_351, %add3A_210], %gather3A : memref<16x1024xf32, #tpu.memory_space<vmem>>[vector<16xi32>, vector<16xi32>], vector<16xf32>,
        tpu.vector_store_idx %arg5[%broadcast_in_dim3A_351, %add3A_214], %gather3A : memref<16x1024xf32, #tpu.memory_space<vmem>>[vector<16xi32>, vector<16xi32>], vector<16xf32>,
        tpu.vector_store_idx %arg5[%broadcast_in_dim3A_351, %add3A_218], %gather3A : memref<16x1024xf32, #tpu.memory_space<vmem>>[vector<16xi32>, vector<16xi32>], vector<16xf32>,
        tpu.vector_store_idx %arg5[%broadcast_in_dim3A_351, %add3A_222], %gather3A : memref<16x1024xf32, #tpu.memory_space<vmem>>[vector<16xi32>, vector<16xi32>], vector<16xf32>,
        tpu.vector_store_idx %arg5[%broadcast_in_dim3A_351, %add3A_226], %gather3A : memref<16x1024xf32, #tpu.memory_space<vmem>>[vector<16xi32>, vector<16xi32>], vector<16xf32>,
        tpu.vector_store_idx %arg5[%broadcast_in_dim3A_351, %add3A_230], %gather3A : memref<16x1024xf32, #tpu.memory_space<vmem>>[vector<16xi32>, vector<16xi32>], vector<16xf32>,
        tpu.vector_store_idx %arg5[%broadcast_in_dim3A_351, %add3A_234], %gather3A : memref<16x1024xf32, #tpu.memory_space<vmem>>[vector<16xi32>, vector<16xi32>], vector<16xf32>,
        tpu.vector_store_idx %arg5[%broadcast_in_dim3A_351, %add3A_238], %gather3A : memref<16x1024xf32, #tpu.memory_space<vmem>>[vector<16xi32>, vector<16xi32>], vector<16xf32>,
        tpu.vector_store_idx %arg5[%broadcast_in_dim3A_351, %add3A_242], %gather3A : memref<16x1024xf32, #tpu.memory_space<vmem>>[vector<16xi32>, vector<16xi32>], vector<16xf32>,
        tpu.vector_store_idx %arg5[%broadcast_in_dim3A_351, %add3A_246], %gather3A : memref<16x1024xf32, #tpu.memory_space<vmem>>[vector<16xi32>, vector<16xi32>], vector<16xf32>,
        tpu.vector_store_idx %arg5[%broadcast_in_dim3A_351, %add3A_250], %gather3A : memref<16x1024xf32, #tpu.memory_space<vmem>>[vector<16xi32>, vector<16xi32>], vector<16xf32>,
        tpu.vector_store_idx %arg5[%broadcast_in_dim3A_351, %add3A_254], %gather3A : memref<16x1024xf32, #tpu.memory_space<vmem>>[vector<16xi32>, vector<16xi32>], vector<16xf32>,
        tpu.vector_store_idx %arg5[%broadcast_in_dim3A_351, %add3A_258], %gather3A : memref<16x1024xf32, #tpu.memory_space<vmem>>[vector<16xi32>, vector<16xi32>], vector<16xf32>,
      }
      %scan3A_315 = arith.constant 16 : i32
      %mul3A_316 = arith.constant 16 : i32
      %mul3A_317 = arith.muli %add3A_302, %mul3A_316 : i32
      %add3A_318 = arith.addi %min3A_3, %mul3A_317 : i32
      %dma_start3A_319 = arith.constant 0 : i32
      %dma_start3A_320 = tpu.memref_slice %arg3[%add3A_318, %dma_start3A_319] : memref<100000x1024xf32, #tpu.memory_space<hbm>> -> memref<16x1024xf32, #tpu.memory_space<hbm>>
      %dma_start3A_321 = arith.constant 0 : i32
      %dma_start3A_322 = tpu.memref_slice %arg3[%add3A_318, %dma_start3A_321] : memref<100000x1024xf32, #tpu.memory_space<hbm>> -> memref<16x1024xf32, #tpu.memory_space<hbm>>
      tpu.enqueue_dma source(%arg5 : memref<16x1024xf32, #tpu.memory_space<vmem>>) target(%dma_start3A_322 : memref<16x1024xf32, #tpu.memory_space<hbm>>) target_semaphore(%arg7 : memref<!tpu.dma_semaphore, #tpu.memory_space<semaphore_mem>>)
      %mul3A_323 = arith.constant 2 : i32
      %mul3A_324 = arith.muli %scan3A_298, %mul3A_323 : i32
      %add3A_325 = arith.constant 1 : i32
      %add3A_326 = arith.addi %mul3A_324, %add3A_325 : i32
      %mul3A_327 = arith.constant 16 : i32
      %mul3A_328 = arith.muli %add3A_326, %mul3A_327 : i32
      %add3A_329 = arith.addi %min3A_3, %mul3A_328 : i32
      %dma_wait3A_330 = arith.constant 0 : i32
      %dma_wait3A_331 = tpu.memref_slice %arg3[%add3A_329, %dma_wait3A_330] : memref<100000x1024xf32, #tpu.memory_space<hbm>> -> memref<16x1024xf32, #tpu.memory_space<hbm>>
      %dma_wait3A_332 = arith.constant 0 : i32
      %dma_wait3A_333 = tpu.memref_slice %arg3[%add3A_329, %dma_wait3A_332] : memref<100000x1024xf32, #tpu.memory_space<hbm>> -> memref<16x1024xf32, #tpu.memory_space<hbm>>
      tpu.wait_dma2 semaphore(%arg8 : memref<!tpu.dma_semaphore, #tpu.memory_space<semaphore_mem>>) src(%arg6 : memref<16x1024xf32, #tpu.memory_space<vmem>>) dst(%dma_wait3A_333 : memref<16x1024xf32, #tpu.memory_space<hbm>>)
      %scan3A_334 = arith.constant 0 : i32
      %scan3A_335 = arith.constant 0 : i32
      %scan3A_336 = arith.constant 16 : i32
      %scan3A_337 = arith.addi %scan3A_335, %scan3A_336 : i32
      %scan3A_338 = arith.constant 1 : i32
      scf.for %scan3A_347 = %scan3A_335 to %scan3A_337 step %scan3A_338  : i32 {
        %mul3A_348 = arith.constant 16 : i32
        %mul3A_349 = arith.muli %add3A_326, %mul3A_348 : i32
        %add3A_350 = arith.addi %mul3A_349, %scan3A_347 : i32
        %broadcast_in_dim3A = vector.broadcast %add3A_350 : i32 to vector<16xi32>
        %gather3A = tpu.vector_load_idx %arg4[%broadcast_in_dim3A] : memref<3136xf32, #tpu.memory_space<vmem>>[vector<16xi32>], vector<16xf32>,
        %broadcast_in_dim3A_351 = vector.broadcast %scan3A_347 : i32 to vector<16xi32>
        tpu.vector_store_idx %arg6[%broadcast_in_dim3A_351, %add3A_6], %gather3A : memref<16x1024xf32, #tpu.memory_space<vmem>>[vector<16xi32>, vector<16xi32>], vector<16xf32>,
        tpu.vector_store_idx %arg6[%broadcast_in_dim3A_351, %add3A_10], %gather3A : memref<16x1024xf32, #tpu.memory_space<vmem>>[vector<16xi32>, vector<16xi32>], vector<16xf32>,
        tpu.vector_store_idx %arg6[%broadcast_in_dim3A_351, %add3A_14], %gather3A : memref<16x1024xf32, #tpu.memory_space<vmem>>[vector<16xi32>, vector<16xi32>], vector<16xf32>,
        tpu.vector_store_idx %arg6[%broadcast_in_dim3A_351, %add3A_18], %gather3A : memref<16x1024xf32, #tpu.memory_space<vmem>>[vector<16xi32>, vector<16xi32>], vector<16xf32>,
        tpu.vector_store_idx %arg6[%broadcast_in_dim3A_351, %add3A_22], %gather3A : memref<16x1024xf32, #tpu.memory_space<vmem>>[vector<16xi32>, vector<16xi32>], vector<16xf32>,
        tpu.vector_store_idx %arg6[%broadcast_in_dim3A_351, %add3A_26], %gather3A : memref<16x1024xf32, #tpu.memory_space<vmem>>[vector<16xi32>, vector<16xi32>], vector<16xf32>,
        tpu.vector_store_idx %arg6[%broadcast_in_dim3A_351, %add3A_30], %gather3A : memref<16x1024xf32, #tpu.memory_space<vmem>>[vector<16xi32>, vector<16xi32>], vector<16xf32>,
        tpu.vector_store_idx %arg6[%broadcast_in_dim3A_351, %add3A_34], %gather3A : memref<16x1024xf32, #tpu.memory_space<vmem>>[vector<16xi32>, vector<16xi32>], vector<16xf32>,
        tpu.vector_store_idx %arg6[%broadcast_in_dim3A_351, %add3A_38], %gather3A : memref<16x1024xf32, #tpu.memory_space<vmem>>[vector<16xi32>, vector<16xi32>], vector<16xf32>,
        tpu.vector_store_idx %arg6[%broadcast_in_dim3A_351, %add3A_42], %gather3A : memref<16x1024xf32, #tpu.memory_space<vmem>>[vector<16xi32>, vector<16xi32>], vector<16xf32>,
        tpu.vector_store_idx %arg6[%broadcast_in_dim3A_351, %add3A_46], %gather3A : memref<16x1024xf32, #tpu.memory_space<vmem>>[vector<16xi32>, vector<16xi32>], vector<16xf32>,
        tpu.vector_store_idx %arg6[%broadcast_in_dim3A_351, %add3A_50], %gather3A : memref<16x1024xf32, #tpu.memory_space<vmem>>[vector<16xi32>, vector<16xi32>], vector<16xf32>,
        tpu.vector_store_idx %arg6[%broadcast_in_dim3A_351, %add3A_54], %gather3A : memref<16x1024xf32, #tpu.memory_space<vmem>>[vector<16xi32>, vector<16xi32>], vector<16xf32>,
        tpu.vector_store_idx %arg6[%broadcast_in_dim3A_351, %add3A_58], %gather3A : memref<16x1024xf32, #tpu.memory_space<vmem>>[vector<16xi32>, vector<16xi32>], vector<16xf32>,
        tpu.vector_store_idx %arg6[%broadcast_in_dim3A_351, %add3A_62], %gather3A : memref<16x1024xf32, #tpu.memory_space<vmem>>[vector<16xi32>, vector<16xi32>], vector<16xf32>,
        tpu.vector_store_idx %arg6[%broadcast_in_dim3A_351, %add3A_66], %gather3A : memref<16x1024xf32, #tpu.memory_space<vmem>>[vector<16xi32>, vector<16xi32>], vector<16xf32>,
        tpu.vector_store_idx %arg6[%broadcast_in_dim3A_351, %add3A_70], %gather3A : memref<16x1024xf32, #tpu.memory_space<vmem>>[vector<16xi32>, vector<16xi32>], vector<16xf32>,
        tpu.vector_store_idx %arg6[%broadcast_in_dim3A_351, %add3A_74], %gather3A : memref<16x1024xf32, #tpu.memory_space<vmem>>[vector<16xi32>, vector<16xi32>], vector<16xf32>,
        tpu.vector_store_idx %arg6[%broadcast_in_dim3A_351, %add3A_78], %gather3A : memref<16x1024xf32, #tpu.memory_space<vmem>>[vector<16xi32>, vector<16xi32>], vector<16xf32>,
        tpu.vector_store_idx %arg6[%broadcast_in_dim3A_351, %add3A_82], %gather3A : memref<16x1024xf32, #tpu.memory_space<vmem>>[vector<16xi32>, vector<16xi32>], vector<16xf32>,
        tpu.vector_store_idx %arg6[%broadcast_in_dim3A_351, %add3A_86], %gather3A : memref<16x1024xf32, #tpu.memory_space<vmem>>[vector<16xi32>, vector<16xi32>], vector<16xf32>,
        tpu.vector_store_idx %arg6[%broadcast_in_dim3A_351, %add3A_90], %gather3A : memref<16x1024xf32, #tpu.memory_space<vmem>>[vector<16xi32>, vector<16xi32>], vector<16xf32>,
        tpu.vector_store_idx %arg6[%broadcast_in_dim3A_351, %add3A_94], %gather3A : memref<16x1024xf32, #tpu.memory_space<vmem>>[vector<16xi32>, vector<16xi32>], vector<16xf32>,
        tpu.vector_store_idx %arg6[%broadcast_in_dim3A_351, %add3A_98], %gather3A : memref<16x1024xf32, #tpu.memory_space<vmem>>[vector<16xi32>, vector<16xi32>], vector<16xf32>,
        tpu.vector_store_idx %arg6[%broadcast_in_dim3A_351, %add3A_102], %gather3A : memref<16x1024xf32, #tpu.memory_space<vmem>>[vector<16xi32>, vector<16xi32>], vector<16xf32>,
        tpu.vector_store_idx %arg6[%broadcast_in_dim3A_351, %add3A_106], %gather3A : memref<16x1024xf32, #tpu.memory_space<vmem>>[vector<16xi32>, vector<16xi32>], vector<16xf32>,
        tpu.vector_store_idx %arg6[%broadcast_in_dim3A_351, %add3A_110], %gather3A : memref<16x1024xf32, #tpu.memory_space<vmem>>[vector<16xi32>, vector<16xi32>], vector<16xf32>,
        tpu.vector_store_idx %arg6[%broadcast_in_dim3A_351, %add3A_114], %gather3A : memref<16x1024xf32, #tpu.memory_space<vmem>>[vector<16xi32>, vector<16xi32>], vector<16xf32>,
        tpu.vector_store_idx %arg6[%broadcast_in_dim3A_351, %add3A_118], %gather3A : memref<16x1024xf32, #tpu.memory_space<vmem>>[vector<16xi32>, vector<16xi32>], vector<16xf32>,
        tpu.vector_store_idx %arg6[%broadcast_in_dim3A_351, %add3A_122], %gather3A : memref<16x1024xf32, #tpu.memory_space<vmem>>[vector<16xi32>, vector<16xi32>], vector<16xf32>,
        tpu.vector_store_idx %arg6[%broadcast_in_dim3A_351, %add3A_126], %gather3A : memref<16x1024xf32, #tpu.memory_space<vmem>>[vector<16xi32>, vector<16xi32>], vector<16xf32>,
        tpu.vector_store_idx %arg6[%broadcast_in_dim3A_351, %add3A_130], %gather3A : memref<16x1024xf32, #tpu.memory_space<vmem>>[vector<16xi32>, vector<16xi32>], vector<16xf32>,
        tpu.vector_store_idx %arg6[%broadcast_in_dim3A_351, %add3A_134], %gather3A : memref<16x1024xf32, #tpu.memory_space<vmem>>[vector<16xi32>, vector<16xi32>], vector<16xf32>,
        tpu.vector_store_idx %arg6[%broadcast_in_dim3A_351, %add3A_138], %gather3A : memref<16x1024xf32, #tpu.memory_space<vmem>>[vector<16xi32>, vector<16xi32>], vector<16xf32>,
        tpu.vector_store_idx %arg6[%broadcast_in_dim3A_351, %add3A_142], %gather3A : memref<16x1024xf32, #tpu.memory_space<vmem>>[vector<16xi32>, vector<16xi32>], vector<16xf32>,
        tpu.vector_store_idx %arg6[%broadcast_in_dim3A_351, %add3A_146], %gather3A : memref<16x1024xf32, #tpu.memory_space<vmem>>[vector<16xi32>, vector<16xi32>], vector<16xf32>,
        tpu.vector_store_idx %arg6[%broadcast_in_dim3A_351, %add3A_150], %gather3A : memref<16x1024xf32, #tpu.memory_space<vmem>>[vector<16xi32>, vector<16xi32>], vector<16xf32>,
        tpu.vector_store_idx %arg6[%broadcast_in_dim3A_351, %add3A_154], %gather3A : memref<16x1024xf32, #tpu.memory_space<vmem>>[vector<16xi32>, vector<16xi32>], vector<16xf32>,
        tpu.vector_store_idx %arg6[%broadcast_in_dim3A_351, %add3A_158], %gather3A : memref<16x1024xf32, #tpu.memory_space<vmem>>[vector<16xi32>, vector<16xi32>], vector<16xf32>,
        tpu.vector_store_idx %arg6[%broadcast_in_dim3A_351, %add3A_162], %gather3A : memref<16x1024xf32, #tpu.memory_space<vmem>>[vector<16xi32>, vector<16xi32>], vector<16xf32>,
        tpu.vector_store_idx %arg6[%broadcast_in_dim3A_351, %add3A_166], %gather3A : memref<16x1024xf32, #tpu.memory_space<vmem>>[vector<16xi32>, vector<16xi32>], vector<16xf32>,
        tpu.vector_store_idx %arg6[%broadcast_in_dim3A_351, %add3A_170], %gather3A : memref<16x1024xf32, #tpu.memory_space<vmem>>[vector<16xi32>, vector<16xi32>], vector<16xf32>,
        tpu.vector_store_idx %arg6[%broadcast_in_dim3A_351, %add3A_174], %gather3A : memref<16x1024xf32, #tpu.memory_space<vmem>>[vector<16xi32>, vector<16xi32>], vector<16xf32>,
        tpu.vector_store_idx %arg6[%broadcast_in_dim3A_351, %add3A_178], %gather3A : memref<16x1024xf32, #tpu.memory_space<vmem>>[vector<16xi32>, vector<16xi32>], vector<16xf32>,
        tpu.vector_store_idx %arg6[%broadcast_in_dim3A_351, %add3A_182], %gather3A : memref<16x1024xf32, #tpu.memory_space<vmem>>[vector<16xi32>, vector<16xi32>], vector<16xf32>,
        tpu.vector_store_idx %arg6[%broadcast_in_dim3A_351, %add3A_186], %gather3A : memref<16x1024xf32, #tpu.memory_space<vmem>>[vector<16xi32>, vector<16xi32>], vector<16xf32>,
        tpu.vector_store_idx %arg6[%broadcast_in_dim3A_351, %add3A_190], %gather3A : memref<16x1024xf32, #tpu.memory_space<vmem>>[vector<16xi32>, vector<16xi32>], vector<16xf32>,
        tpu.vector_store_idx %arg6[%broadcast_in_dim3A_351, %add3A_194], %gather3A : memref<16x1024xf32, #tpu.memory_space<vmem>>[vector<16xi32>, vector<16xi32>], vector<16xf32>,
        tpu.vector_store_idx %arg6[%broadcast_in_dim3A_351, %add3A_198], %gather3A : memref<16x1024xf32, #tpu.memory_space<vmem>>[vector<16xi32>, vector<16xi32>], vector<16xf32>,
        tpu.vector_store_idx %arg6[%broadcast_in_dim3A_351, %add3A_202], %gather3A : memref<16x1024xf32, #tpu.memory_space<vmem>>[vector<16xi32>, vector<16xi32>], vector<16xf32>,
        tpu.vector_store_idx %arg6[%broadcast_in_dim3A_351, %add3A_206], %gather3A : memref<16x1024xf32, #tpu.memory_space<vmem>>[vector<16xi32>, vector<16xi32>], vector<16xf32>,
        tpu.vector_store_idx %arg6[%broadcast_in_dim3A_351, %add3A_210], %gather3A : memref<16x1024xf32, #tpu.memory_space<vmem>>[vector<16xi32>, vector<16xi32>], vector<16xf32>,
        tpu.vector_store_idx %arg6[%broadcast_in_dim3A_351, %add3A_214], %gather3A : memref<16x1024xf32, #tpu.memory_space<vmem>>[vector<16xi32>, vector<16xi32>], vector<16xf32>,
        tpu.vector_store_idx %arg6[%broadcast_in_dim3A_351, %add3A_218], %gather3A : memref<16x1024xf32, #tpu.memory_space<vmem>>[vector<16xi32>, vector<16xi32>], vector<16xf32>,
        tpu.vector_store_idx %arg6[%broadcast_in_dim3A_351, %add3A_222], %gather3A : memref<16x1024xf32, #tpu.memory_space<vmem>>[vector<16xi32>, vector<16xi32>], vector<16xf32>,
        tpu.vector_store_idx %arg6[%broadcast_in_dim3A_351, %add3A_226], %gather3A : memref<16x1024xf32, #tpu.memory_space<vmem>>[vector<16xi32>, vector<16xi32>], vector<16xf32>,
        tpu.vector_store_idx %arg6[%broadcast_in_dim3A_351, %add3A_230], %gather3A : memref<16x1024xf32, #tpu.memory_space<vmem>>[vector<16xi32>, vector<16xi32>], vector<16xf32>,
        tpu.vector_store_idx %arg6[%broadcast_in_dim3A_351, %add3A_234], %gather3A : memref<16x1024xf32, #tpu.memory_space<vmem>>[vector<16xi32>, vector<16xi32>], vector<16xf32>,
        tpu.vector_store_idx %arg6[%broadcast_in_dim3A_351, %add3A_238], %gather3A : memref<16x1024xf32, #tpu.memory_space<vmem>>[vector<16xi32>, vector<16xi32>], vector<16xf32>,
        tpu.vector_store_idx %arg6[%broadcast_in_dim3A_351, %add3A_242], %gather3A : memref<16x1024xf32, #tpu.memory_space<vmem>>[vector<16xi32>, vector<16xi32>], vector<16xf32>,
        tpu.vector_store_idx %arg6[%broadcast_in_dim3A_351, %add3A_246], %gather3A : memref<16x1024xf32, #tpu.memory_space<vmem>>[vector<16xi32>, vector<16xi32>], vector<16xf32>,
        tpu.vector_store_idx %arg6[%broadcast_in_dim3A_351, %add3A_250], %gather3A : memref<16x1024xf32, #tpu.memory_space<vmem>>[vector<16xi32>, vector<16xi32>], vector<16xf32>,
        tpu.vector_store_idx %arg6[%broadcast_in_dim3A_351, %add3A_254], %gather3A : memref<16x1024xf32, #tpu.memory_space<vmem>>[vector<16xi32>, vector<16xi32>], vector<16xf32>,
        tpu.vector_store_idx %arg6[%broadcast_in_dim3A_351, %add3A_258], %gather3A : memref<16x1024xf32, #tpu.memory_space<vmem>>[vector<16xi32>, vector<16xi32>], vector<16xf32>,
      }
      %scan3A_339 = arith.constant 16 : i32
      %mul3A_340 = arith.constant 16 : i32
      %mul3A_341 = arith.muli %add3A_326, %mul3A_340 : i32
      %add3A_342 = arith.addi %min3A_3, %mul3A_341 : i32
      %dma_start3A_343 = arith.constant 0 : i32
      %dma_start3A_344 = tpu.memref_slice %arg3[%add3A_342, %dma_start3A_343] : memref<100000x1024xf32, #tpu.memory_space<hbm>> -> memref<16x1024xf32, #tpu.memory_space<hbm>>
      %dma_start3A_345 = arith.constant 0 : i32
      %dma_start3A_346 = tpu.memref_slice %arg3[%add3A_342, %dma_start3A_345] : memref<100000x1024xf32, #tpu.memory_space<hbm>> -> memref<16x1024xf32, #tpu.memory_space<hbm>>
      tpu.enqueue_dma source(%arg6 : memref<16x1024xf32, #tpu.memory_space<vmem>>) target(%dma_start3A_346 : memref<16x1024xf32, #tpu.memory_space<hbm>>) target_semaphore(%arg8 : memref<!tpu.dma_semaphore, #tpu.memory_space<semaphore_mem>>)
    }
    %scan3A_286 = arith.constant 97 : i32
    %add3A_287 = arith.constant 0 : i32
    %add3A_288 = arith.addi %min3A_3, %add3A_287 : i32
    %dma_wait3A = arith.constant 0 : i32
    %dma_wait3A_289 = tpu.memref_slice %arg3[%add3A_288, %dma_wait3A] : memref<100000x1024xf32, #tpu.memory_space<hbm>> -> memref<16x1024xf32, #tpu.memory_space<hbm>>
    %dma_wait3A_290 = arith.constant 0 : i32
    %dma_wait3A_291 = tpu.memref_slice %arg3[%add3A_288, %dma_wait3A_290] : memref<100000x1024xf32, #tpu.memory_space<hbm>> -> memref<16x1024xf32, #tpu.memory_space<hbm>>
    tpu.wait_dma2 semaphore(%arg7 : memref<!tpu.dma_semaphore, #tpu.memory_space<semaphore_mem>>) src(%arg5 : memref<16x1024xf32, #tpu.memory_space<vmem>>) dst(%dma_wait3A_291 : memref<16x1024xf32, #tpu.memory_space<hbm>>)
    %add3A_292 = arith.constant 16 : i32
    %add3A_293 = arith.addi %min3A_3, %add3A_292 : i32
    %dma_wait3A_294 = arith.constant 0 : i32
    %dma_wait3A_295 = tpu.memref_slice %arg3[%add3A_293, %dma_wait3A_294] : memref<100000x1024xf32, #tpu.memory_space<hbm>> -> memref<16x1024xf32, #tpu.memory_space<hbm>>
    %dma_wait3A_296 = arith.constant 0 : i32
    %dma_wait3A_297 = tpu.memref_slice %arg3[%add3A_293, %dma_wait3A_296] : memref<100000x1024xf32, #tpu.memory_space<hbm>> -> memref<16x1024xf32, #tpu.memory_space<hbm>>
    tpu.wait_dma2 semaphore(%arg8 : memref<!tpu.dma_semaphore, #tpu.memory_space<semaphore_mem>>) src(%arg6 : memref<16x1024xf32, #tpu.memory_space<vmem>>) dst(%dma_wait3A_297 : memref<16x1024xf32, #tpu.memory_space<hbm>>)
    return
  }
}

</mosaic_0001>

<sc_bundles>
// kernel: kernel.3.cloned.1.call-start
scs
__scs_entry_jumppad:
0x0: {  	(pc) =	sbr.rel $0x88, $3  }
0x1: {  	(tag) =	ssettag $0x0;
	lr =	simm.s32 $0x1  }
0x2: {  	[smem:$0x3FA0] =	sst lr;
	_ =	strace $0xD0000000  }
0x3: {  	_ = 	snop  }
0x4: {  	_ = 	snop  }
0x5: {  	_ = 	snop  }
0x6: {  	_ = 	snop  }
0x7: {  	_ = 	snop  }
__scs_overlays_trampoline_lowered:
0x8: {  	[smem:$0x3FAF] =	sst s0  }
0x9: {  	[smem:$0x3FB0] =	sst s1  }
0xa: {  	[smem:$0x3FB1] =	sst s2  }
0xb: {  	[smem:$0x3FB2] =	sst s3  }
0xc: {  	[smem:$0x3FB3] =	sst s4  }
0xd: {  	[smem:$0x3FB4] =	sst s5  }
0xe: {  	[smem:$0x3FB5] =	sst s6  }
0xf: {  	[smem:$0x3FB6] =	sst s7  }
0x10: {  	[smem:$0x3FB7] =	sst s8  }
0x11: {  	[smem:$0x3FB8] =	sst s9;
	s0 =	simm.s32 @!p0 $0x0  }
0x12: {  	s1 =	sld [smem:$0x3F9E];
	s0 =	simm.s32 @p0 $0x1  }
0x13: {  	[smem:$0x3FB9] =	sst s0;
	s0 =	simm.s32 @!p1 $0x0  }
0x14: {  	s2 =	sld [smem:$0x3F9D];
	s0 =	simm.s32 @p1 $0x1  }
0x15: {  	[smem:$0x3FBA] =	sst s0;
	s0 =	simm.s32 @!p2 $0x0  }
0x16: {  	s3 =	sld [smem:$0x3FDB];
	s0 =	simm.s32 @p2 $0x1  }
0x17: {  	s4 =	simm.s32 $0x1BF5;
	[smem:$0x3FBC] =	sst s0  }
0x18: {  	s0 =	sld [smem:$0x3F9F];
	_ =	swait.ge [sflag:s4], $0x0  }
0x19: {  	s7 =	sld [smem:$0x3FA0]  }
0x1a: {  	s8 =	sadd.s32 $0xFFFFE003, lr  }
0x1b: {  	s9 =	sadd.s32 $0xFFFFFEF7, lr;
	s5 =	simm.s32 $0xFFFFFFFF;
	p2 =	slt.u32 s8, $0xFFFFF086  }
0x1c: {  	p1 =	slt.u32 s9, $0xF7A;
	s5 =	simm.s32 @!p2 $0x0  }
0x1d: {  	s5 =	simm.s32 @p1 $0x1;
	p0 =	seq.s32 s7, s2  }
0x1e: {  	s7 =	smul.u32 @!p0 $0xF7A, s2;
	p2 =	seq.s32 @!p0 s5, $0x0  }
0x1f: {  	s9 =	smul.u32 $0xF7A, s1;
	s8 =	simm.s32 @!p0 $0x1BF5;
	p2 =	por !p2, p0  }
0x20: {  	[sflag:s8] =	ssyncset.s32 @!p0 $0xFFFFF086;
	s6 =	sadd.s32 @!p0 s3, s7;
	s7 =	simm.s32 @!p0 $0x108  }
0x21: {  	s3 =	sadd.s32 s3, s9;
	s6 =	sadd.s32 @!p0 $0x88, s6;
	s7 =	simm.s32 @p2 $0x1082  }
0x22: {  	[simem:s7], [sflag:s8] =	dma.local @!p0 [hbm:s6], $0xF7A  }
0x23: {  	s9 =	sor.u32 $0xD0000000, s2;
	s6 =	simm.s32 $0x108;
	_ =	swait.ge @!p0 [sflag:s8], $0x0  }
0x24: {  	s3 =	sadd.s32 $0x88, s3;
	s6 =	simm.s32 @!p1 $0x1082;
	[sflag:s4] =	ssyncset.s32 $0xFFFFF086  }
0x25: {  	[simem:s6], [sflag:s4] =	dma.local [hbm:s3], $0xF7A  }
0x26: {  	[smem:$0x3FA0] =	sst s1;
	(tag) =	ssettag s2;
	_ =	strace s9  }
0x27: {  	s1 =	sld [smem:$0x3FB0]  }
0x28: {  	s2 =	sld [smem:$0x3FB1]  }
0x29: {  	s4 =	sld [smem:$0x3FB3]  }
0x2a: {  	p0 =	seq.s32 s5, $0x0;
	s5 =	sld [smem:$0x3FB4]  }
0x2b: {  	s6 =	sld [smem:$0x3FB5]  }
0x2c: {  	s7 =	sld [smem:$0x3FB6]  }
0x2d: {  	s3 =	simm.s32 $0x108;
	s8 =	sld [smem:$0x3FB7]  }
0x2e: {  	s3 =	simm.s32 @!p0 $0x1082;
	s9 =	sld [smem:$0x3FB8]  }
0x2f: {  	lr =	sadd.s32 s0, s3;
	s0 =	sld [smem:$0x3FAF]  }
0x30: {  	s3 =	sld [smem:$0x3FB2]  }
0x31: {  	[smem:$0x3FBB] =	sst s10  }
0x32: {  	s10 =	sld [smem:$0x3FB9];
	_ =	sdelay $0x3  }
0x33: {  	p0 =	seq.s32 s10, $0x1;
	s10 =	sld [smem:$0x3FBB];
	_ =	sdelay $0x3  }
0x34: {  	[smem:$0x3FBB] =	sst s10  }
0x35: {  	s10 =	sld [smem:$0x3FBA];
	_ =	sdelay $0x3  }
0x36: {  	p1 =	seq.s32 s10, $0x1;
	s10 =	sld [smem:$0x3FBB];
	_ =	sdelay $0x3  }
0x37: {  	[smem:$0x3FBB] =	sst s10  }
0x38: {  	s10 =	sld [smem:$0x3FBC]  }
0x39: {  	_ = 	snop;
	(pc) =	sbr.ind lr, $3  }
0x3a: {  	_ = 	snop  }
0x3b: {  	_ = 	snop  }
0x3c: {  	p2 =	seq.s32 s10, $0x1;
	s10 =	sld [smem:$0x3FBB]  }
0x3d: {  	_ =	shalt  }
0x3e: {  	_ =	shalt  }
0x3f: {  	_ =	shalt  }
0x40: {  	_ =	shalt  }
0x41: {  	_ =	shalt  }
0x42: {  	_ =	shalt  }
0x43: {  	_ =	shalt  }
0x44: {  	_ =	shalt  }
0x45: {  	_ =	shalt  }
0x46: {  	_ =	shalt  }
0x47: {  	_ =	shalt  }
0x48: {  	_ =	shalt  }
0x49: {  	_ =	shalt  }
0x4a: {  	_ =	shalt  }
0x4b: {  	_ =	shalt  }
0x4c: {  	_ =	shalt  }
0x4d: {  	_ =	shalt  }
0x4e: {  	_ =	shalt  }
0x4f: {  	_ =	shalt  }
0x50: {  	_ =	shalt  }
0x51: {  	_ =	shalt  }
0x52: {  	_ =	shalt  }
0x53: {  	_ =	shalt  }
0x54: {  	_ =	shalt  }
0x55: {  	_ =	shalt  }
0x56: {  	_ =	shalt  }
0x57: {  	_ =	shalt  }
0x58: {  	_ =	shalt  }
0x59: {  	_ =	shalt  }
0x5a: {  	_ =	shalt  }
0x5b: {  	_ =	shalt  }
0x5c: {  	_ =	shalt  }
0x5d: {  	_ =	shalt  }
0x5e: {  	_ =	shalt  }
0x5f: {  	_ =	shalt  }
0x60: {  	_ =	shalt  }
0x61: {  	_ =	shalt  }
0x62: {  	_ =	shalt  }
0x63: {  	_ =	shalt  }
0x64: {  	_ =	shalt  }
0x65: {  	_ =	shalt  }
0x66: {  	_ =	shalt  }
0x67: {  	_ =	shalt  }
0x68: {  	_ =	shalt  }
0x69: {  	_ =	shalt  }
0x6a: {  	_ =	shalt  }
0x6b: {  	_ =	shalt  }
0x6c: {  	_ =	shalt  }
0x6d: {  	_ =	shalt  }
0x6e: {  	_ =	shalt  }
0x6f: {  	_ =	shalt  }
0x70: {  	_ =	shalt  }
0x71: {  	_ =	shalt  }
0x72: {  	_ =	shalt  }
0x73: {  	_ =	shalt  }
0x74: {  	_ =	shalt  }
0x75: {  	_ =	shalt  }
0x76: {  	_ =	shalt  }
0x77: {  	_ =	shalt  }
0x78: {  	_ =	shalt  }
0x79: {  	_ =	shalt  }
0x7a: {  	_ =	shalt  }
0x7b: {  	_ =	shalt  }
0x7c: {  	_ =	shalt  }
0x7d: {  	_ =	shalt  }
0x7e: {  	_ =	shalt  }
0x7f: {  	_ =	shalt  }
0x80: {  	_ =	shalt  }
0x81: {  	_ =	shalt  }
0x82: {  	_ =	shalt  }
0x83: {  	_ =	shalt  }
0x84: {  	_ =	shalt  }
0x85: {  	_ =	shalt  }
0x86: {  	_ =	shalt  }
0x87: {  	_ =	shalt  }
.Lfunc_end0:
.L_simem_size_0:
called_computation_lowered:
.L_overlay_start_0:
0x88: {  	s2 =	sld [smem:$0x3FD9]  }
0x89: {  	s3 =	sld [smem:$0x3FFE];
	_ =	sdelay $0x1  }
0x8a: {  	s1 =	srdreg.scid  }
0x8b: {  	s0 =	sand.u32 $0x1, s1  }
0x8c: {  	s18 =	sshll.u32 s0, $0xA;
	s2 =	sadd.s32 s3, s2  }
0x8d: {  	s2 =	sadd.s32 s2, s18  }
0x8e: {  	[smem:$0x3FC7] =	sst s2  }
0x8f: {  	_ = 	snop  }
0x90: {  	s2 =	sld [smem:$0x3FC9]  }
0x91: {  	s19 =	sld [smem:$0x3FD0];
	(tm) =	ssettm $0x1  }
0x92: {  	s4 =	sld [smem:$0x3FFB];
	_ =	sdelay $0x3  }
0x93: {  	_ =	strace s4  }
0x94: {  	s4 =	sld [smem:$0x3FFC];
	_ =	sdelay $0x3  }
0x95: {  	_ =	strace s4  }
0x96: {  	s4 =	sld [smem:$0x3FFD];
	_ =	sdelay $0x3  }
0x97: {  	_ =	strace s4  }
0x98: {  	_ =	strace $0x8FFFFFFF  }
0x99: {  	s20 =	sld [smem:$0x3FDB];
	_ =	sdelay $0x1  }
0x9a: {  	s5 =	simm.s32 $_scs_section_size  }
0x9b: {  	s6 =	simm.s32 $_size__tile_overlayer_lowered;
	s7 =	simm.s32 $_tile_overlayer_lowered  }
0x9c: {  	s23 =	simm.s32 $0x1BFF;
	s22 =	sshll.u32 s7, $0x1;
	s4 =	sadd.s32 s5, s20  }
0x9d: {  	s8 =	simm.s32 $0x0;
	s21 =	sshll.u32 s6, $0x1;
	s6 =	sadd.s32 s22, s4  }
0x9e: {  	[timem:s8], [sflag:s23] =	dma.local [hbm:s6], s21  }
0x9f: {  	_ =	swait.ge [sflag:s23], s21  }
0xa0: {  	s5 =	ssub.s32 $0x0, s21;
	[sflag:s23] =	ssyncset.done $0x0  }
0xa1: {  	[sflag:s23] =	ssyncadd.s32 s5;
	_ =	sdelay $0x1  }
0xa2: {  	s24 =	simm.s32 $0x1B8B  }
0xa3: {  	_ =	swait.ge [sflag:s24], $0x1  }
0xa4: {  	[sflag:s24] =	ssyncset.done $0x0  }
0xa5: {  	s25 =	simm.s32 $0x1B8E;
	[sflag:s24] =	ssyncadd.s32 $0xFFFFFFFF  }
0xa6: {  	s26 =	simm.s32 $execute0_lowered;
	[smem:$0x3FD2] =	sst s25  }
0xa7: {  	s5 =	sshll.u32 s26, $0x1;
	_ =	strace $0x80000046;
	[dreg:$0x1] =	wrdreg $0xFFFFFFFF  }
0xa8: {  	s28 =	simm.s32 $_size_execute0_lowered;
	s4 =	sadd.s32 s4, s5;
	[dreg:$0x0] =	wrdreg $0x0  }
0xa9: {  	s5 =	sshll.u32 s28, $0x1;
	[dreg:$0x2] =	wrdreg s4  }
0xaa: {  	[dreg:$0x3] =	wrdreg s5  }
0xab: {  	[dreg:$0x4] =	wrdreg $0xC0  }
0xac: {  	_ =	task [dreg:s8], $0x5FFFF  }
0xad: {  	[dreg:$0x1] =	wrdreg $0xFFFFFFFF  }
0xae: {  	[dreg:$0x0] =	wrdreg $0x60  }
0xaf: {  	[dreg:$0x2] =	wrdreg s2  }
0xb0: {  	[dreg:$0x3] =	wrdreg s19  }
0xb1: {  	[dreg:$0x4] =	wrdreg $0x9  }
0xb2: {  	_ =	task.clear_ibuf [dreg:s8], $0x5FFFF;
	_ =	strace $0x90000046  }
0xb3: {  	s29 =	simm.s32 $0x9;
	_ =	strace $0x80000048  }
0xb4: {  	_ =	swait.ge [sflag:s29], $0x1  }
0xb5: {  	[sflag:s29] =	ssyncadd.s32 $0xFFFFFFFF  }
0xb6: {  	_ =	strace $0x90000048  }
0xb7: {  	_ =	sfence  }
0xb8: {  	s30 =	sld [smem:$0x0];
	_ =	sdelay $0x2  }
0xb9: {  	s31 =	sshll.u32 s1, $0xD;
	s1 =	sshrl.u32 s1, $0x2  }
0xba: {  	s3 =	sand.u32 $0x4000, s31;
	s1 =	sadd.s32 s1, s30  }
0xbb: {  	s0 =	sor.u32 s3, s0;
	s1 =	sshll.u32 s1, $0x11  }
0xbc: {  	s0 =	sor.u32 s1, s0  }
0xbd: {  	s0 =	sadd.s32 $0x8F2B, s0  }
0xbe: {  	[sflag:s0] =	ssyncadd.remote.s32 $0x1  }
0xbf: {  	_ =	sfence.sel $0xFFFF  }
0xc0: {  	[dreg:$0x0] =	wrdreg $0xFFFFFFFF;
	(pc) =	sbr.abs _section_cstart, $3  }
0xc1: {  	[dreg:$0x1] =	wrdreg $0xFFFFFFFF  }
0xc2: {  	_ =	task.clear_ibuf [dreg:s8], $0x2FFFF;
	_ =	strace $0x9FFFFFFF  }
0xc3: {  	(tm) =	ssettm $0x7FFFFFFF  }
tec
execute0_lowered:
.L_overlay_start_1:
0x0: {  	(tag) =	ssettag $0x1  }
0x1: {  	s1 =	srdreg.scid;
	s6 =	rddreg [dreg:$0x0]  }
0x2: {  	v11 =	vlaneseq.u32;
	s0 =	stileid.u32;
	s2 =	rddreg [dreg:$0x1]  }
0x3: {  	s3 =	simm.s32 $0x0;
	v0 =	vor.u32 $0xC60, v11;
	s4 =	sand.u32 $0x1, s1;
	s29 =	sshll.u32 s0, $0x1  }
0x4: {  	[smem:$0x7FF] =	sst s3;
	[tilespmem:$0x1FC10] =	vst v0;
	s1 =	sor.u32 s4, s29;
	v0 =	vor.u32 $0x1C00, v11  }
0x5: {  	v13 =	vor.u32 $0x40, v11;
	s5 =	smul.u32 $0xC40, s1;
	s1 =	rddreg [dreg:$0x2];
	_ =	strace $0x80000047;
	[tilespmem:$0x1FC20] =	vst v0  }
0x6: {  	v14 =	vor.u32 $0x50, v11;
	[tilespmem:$0x1FC90] =	vst v13  }
0x7: {  	v15 =	vor.u32 $0x60, v11;
	[tilespmem:$0x1FCA0] =	vst v14  }
0x8: {  	v16 =	vor.u32 $0x70, v11;
	[tilespmem:$0x1FCB0] =	vst v15  }
0x9: {  	v17 =	vor.u32 $0x400, v11;
	[tilespmem:$0x1FCC0] =	vst v16  }
0xa: {  	v20 =	vor.u32 $0x410, v11;
	[tilespmem:$0x1FCD0] =	vst v17  }
0xb: {  	v19 =	vor.u32 $0x420, v11;
	[tilespmem:$0x1FCE0] =	vst v20  }
0xc: {  	v23 =	vor.u32 $0x430, v11;
	[tilespmem:$0x1FCF0] =	vst v19  }
0xd: {  	v18 =	vor.u32 $0x440, v11;
	[tilespmem:$0x1FD00] =	vst v23  }
0xe: {  	v26 =	vor.u32 $0x450, v11;
	[tilespmem:$0x1FD10] =	vst v18  }
0xf: {  	v21 =	vor.u32 $0x460, v11;
	[tilespmem:$0x1FD20] =	vst v26  }
0x10: {  	v22 =	vor.u32 $0x470, v11;
	[tilespmem:$0x1FD30] =	vst v21  }
0x11: {  	v29 =	vor.u32 $0x800, v11;
	[tilespmem:$0x1FD40] =	vst v22  }
0x12: {  	v24 =	vor.u32 $0x810, v11;
	[tilespmem:$0x1FD50] =	vst v29  }
0x13: {  	v25 =	vor.u32 $0x820, v11;
	[tilespmem:$0x1FD60] =	vst v24  }
0x14: {  	v31 =	vor.u32 $0x830, v11;
	[tilespmem:$0x1FD70] =	vst v25  }
0x15: {  	v32 =	vor.u32 $0x840, v11;
	[tilespmem:$0x1FD80] =	vst v31  }
0x16: {  	v28 =	vor.u32 $0x850, v11;
	[tilespmem:$0x1FD90] =	vst v32  }
0x17: {  	v34 =	vor.u32 $0x860, v11;
	[tilespmem:$0x1FDA0] =	vst v28  }
0x18: {  	v35 =	vor.u32 $0x870, v11;
	[tilespmem:$0x1FDB0] =	vst v34  }
0x19: {  	v27 =	vor.u32 $0xC00, v11;
	[tilespmem:$0x1FDC0] =	vst v35  }
0x1a: {  	v41 =	vor.u32 $0xC10, v11;
	[tilespmem:$0x1FDD0] =	vst v27  }
0x1b: {  	v37 =	vor.u32 $0xC20, v11;
	[tilespmem:$0x1FDE0] =	vst v41  }
0x1c: {  	v38 =	vor.u32 $0xC30, v11;
	[tilespmem:$0x1FDF0] =	vst v37  }
0x1d: {  	v40 =	vor.u32 $0xC40, v11;
	[tilespmem:$0x1FE00] =	vst v38  }
0x1e: {  	v57 =	vor.u32 $0xC50, v11;
	[tilespmem:$0x1FE10] =	vst v40  }
0x1f: {  	v30 =	vor.u32 $0xC70, v11;
	[tilespmem:$0x1FE20] =	vst v57  }
0x20: {  	v44 =	vor.u32 $0x1000, v11;
	[tilespmem:$0x1FE30] =	vst v30  }
0x21: {  	v36 =	vor.u32 $0x1010, v11;
	[tilespmem:$0x1FE40] =	vst v44  }
0x22: {  	v33 =	vor.u32 $0x1020, v11;
	[tilespmem:$0x1FE50] =	vst v36  }
0x23: {  	v43 =	vor.u32 $0x1030, v11;
	[tilespmem:$0x1FE60] =	vst v33  }
0x24: {  	v63 =	vor.u32 $0x1040, v11;
	[tilespmem:$0x1FE70] =	vst v43  }
0x25: {  	v60 =	vor.u32 $0x1070, v11;
	[tilespmem:$0x1FE80] =	vst v63  }
0x26: {  	v46 =	vor.u32 $0x1410, v11;
	[tilespmem:$0x1FE90] =	vst v60  }
0x27: {  	v47 =	vor.u32 $0x1050, v11;
	[tilespmem:$0x1FEA0] =	vst v46  }
0x28: {  	v39 =	vor.u32 $0x1400, v11;
	[tilespmem:$0x1FEB0] =	vst v47  }
0x29: {  	v49 =	vor.u32 $0x1420, v11;
	[tilespmem:$0x1FEC0] =	vst v39  }
0x2a: {  	v50 =	vor.u32 $0x1060, v11;
	[tilespmem:$0x1FED0] =	vst v49  }
0x2b: {  	v42 =	vor.u32 $0x1430, v11;
	[tilespmem:$0x1FEE0] =	vst v50  }
0x2c: {  	v52 =	vor.u32 $0x1450, v11;
	[tilespmem:$0x1FEF0] =	vst v42  }
0x2d: {  	v53 =	vor.u32 $0x1440, v11;
	[tilespmem:$0x1FF00] =	vst v52  }
0x2e: {  	v45 =	vor.u32 $0x1470, v11;
	[tilespmem:$0x1FF10] =	vst v53  }
0x2f: {  	v55 =	vor.u32 $0x1460, v11;
	[tilespmem:$0x1FF20] =	vst v45  }
0x30: {  	v56 =	vor.u32 $0x1800, v11;
	[tilespmem:$0x1FF30] =	vst v55  }
0x31: {  	v48 =	vor.u32 $0x1810, v11;
	[tilespmem:$0x1FF40] =	vst v56  }
0x32: {  	v58 =	vor.u32 $0x1830, v11;
	[tilespmem:$0x1FF50] =	vst v48  }
0x33: {  	v59 =	vor.u32 $0x1820, v11;
	[tilespmem:$0x1FF60] =	vst v58  }
0x34: {  	v51 =	vor.u32 $0x1850, v11;
	[tilespmem:$0x1FF70] =	vst v59  }
0x35: {  	v61 =	vor.u32 $0x1840, v11;
	[tilespmem:$0x1FF80] =	vst v51  }
0x36: {  	v9 =	vor.u32 $0x10, v11;
	[tilespmem:$0x1FF90] =	vst v61  }
0x37: {  	v62 =	vor.u32 $0x1860, v11;
	[tilespmem:$0x1FFA0] =	vst v9  }
0x38: {  	v10 =	vor.u32 $0x20, v11;
	[tilespmem:$0x1FFB0] =	vst v62  }
0x39: {  	v54 =	vor.u32 $0x1870, v11;
	[tilespmem:$0x1FFC0] =	vst v10  }
0x3a: {  	v7 =	vor.u32 $0x1C10, v11;
	[tilespmem:$0x1FFD0] =	vst v54  }
0x3b: {  	v8 =	vor.u32 $0x30, v11;
	[tilespmem:$0x1FFE0] =	vst v7  }
0x3c: {  	v0 =	vor.u32 $0x1C20, v11;
	[tilespmem:$0x1FFF0] =	vst v8  }
0x3d: {  	s10 =	simm.s32 $0xC80;
	[tilespmem:$0x1FC30] =	vst v0;
	v0 =	vor.u32 $0x1C30, v11  }
0x3e: {  	s11 =	simm.s32 $0x4C80;
	s12 =	simm.s32 $0x1;
	s13 =	simm.s32 $0x2;
	[tilespmem:$0x1FC40] =	vst v0;
	v0 =	vor.u32 $0x1C40, v11  }
0x3f: {  	s14 =	simm.s32 $0x0;
	s7 =	ssub.s32 $0x2, s4;
	s4 =	smin.u32 s5, $0x17A60;
	[tilespmem:$0x1FC50] =	vst v0;
	v0 =	vor.u32 $0x1C50, v11  }
0x40: {  	s30 =	sshrl.u32 s7, $0x1;
	s8 =	sshll.u32 s4, $0x7;
	s31 =	sshrl.u32 s4, $0x3;
	[tilespmem:$0x1FC60] =	vst v0;
	v0 =	vor.u32 $0x1C60, v11  }
0x41: {  	s9 =	ssub.s32 s7, s30;
	s5 =	sadd.s32 s2, s8;
	s6 =	sadd.s32 s6, s31;
	[tilespmem:$0x1FC70] =	vst v0;
	v0 =	vor.u32 $0x1C70, v11  }
0x42: {  	s8 =	smax.u32 s9, $0x1;
	s9 =	simm.s32 $0x3;
	s7 =	sadd.s32 $0x800, s5;
	[tilespmem:$0x1FC80] =	vst v0  }
.LBB2_1:
0x43: {  	v0 =	vmov s3  }
0x44: {  	[tilespmem:s3], [sflag:$0x3] =	stream.linear.gather [hbm4b:s6+s3], $0xC40, $0x38;
	[tilespmem:$0x8C80] =	vst v63  }
0x45: {  	_ =	swait.ge [sflag:s9], $0xC40;
	v12 =	vshll.u32 v0, $0xA;
	v2 =	vshll.u32 v0, $0x7  }
0x46: {  	[sflag:s9] =	ssyncset.done $0x0;
	v3 =	vand.u32 $0x2000, v12;
	v1 =	vand.u32 $0x380, v2  }
0x47: {  	[sflag:s9] =	ssyncadd.s32 $0xFFFFF3C0;
	v3 =	vor.u32 v1, v3  }
0x48: {  	v4 =	vor.u32 v11, v3;
	v0 =	vld.idx.msk [tilespmem:v0+s3+$0x0], $0xffff  }
0x49: {  	v5 =	vor.u32 v9, v3  }
0x4a: {  	v6 =	vor.u32 v10, v3  }
0x4b: {  	[tilespmem:$0x1FBE0] =	vst v1;
	v1 =	vor.u32 v8, v3  }
0x4c: {  	v2 =	vor.u32 v13, v3  }
0x4d: {  	[tilespmem:v4+s10+$0x0] =	vst.idx.msk $0xffff, v0;
	v4 =	vor.u32 v14, v3  }
0x4e: {  	[tilespmem:v5+s10+$0x0] =	vst.idx.msk $0xffff, v0;
	v5 =	vor.u32 v15, v3  }
0x4f: {  	[tilespmem:v6+s10+$0x0] =	vst.idx.msk $0xffff, v0;
	v6 =	vor.u32 v16, v3  }
0x50: {  	[tilespmem:v1+s10+$0x0] =	vst.idx.msk $0xffff, v0;
	v1 =	vor.u32 v17, v3  }
0x51: {  	[tilespmem:v2+s10+$0x0] =	vst.idx.msk $0xffff, v0;
	v2 =	vor.u32 v20, v3  }
0x52: {  	[tilespmem:v4+s10+$0x0] =	vst.idx.msk $0xffff, v0;
	v4 =	vor.u32 v19, v3  }
0x53: {  	[tilespmem:v5+s10+$0x0] =	vst.idx.msk $0xffff, v0;
	v5 =	vor.u32 v23, v3  }
0x54: {  	[tilespmem:v6+s10+$0x0] =	vst.idx.msk $0xffff, v0;
	v6 =	vor.u32 v18, v3  }
0x55: {  	[tilespmem:v1+s10+$0x0] =	vst.idx.msk $0xffff, v0;
	v1 =	vor.u32 v26, v3  }
0x56: {  	[tilespmem:v2+s10+$0x0] =	vst.idx.msk $0xffff, v0;
	v2 =	vor.u32 v21, v3  }
0x57: {  	[tilespmem:v4+s10+$0x0] =	vst.idx.msk $0xffff, v0;
	v4 =	vor.u32 v22, v3  }
0x58: {  	[tilespmem:v5+s10+$0x0] =	vst.idx.msk $0xffff, v0;
	v5 =	vor.u32 v29, v3  }
0x59: {  	[tilespmem:v6+s10+$0x0] =	vst.idx.msk $0xffff, v0;
	v6 =	vor.u32 v24, v3  }
0x5a: {  	[tilespmem:v1+s10+$0x0] =	vst.idx.msk $0xffff, v0;
	v1 =	vor.u32 v25, v3  }
0x5b: {  	[tilespmem:v2+s10+$0x0] =	vst.idx.msk $0xffff, v0;
	v2 =	vor.u32 v31, v3  }
0x5c: {  	[tilespmem:v4+s10+$0x0] =	vst.idx.msk $0xffff, v0;
	v4 =	vor.u32 v32, v3  }
0x5d: {  	[tilespmem:v5+s10+$0x0] =	vst.idx.msk $0xffff, v0;
	v5 =	vor.u32 v28, v3  }
0x5e: {  	[tilespmem:v6+s10+$0x0] =	vst.idx.msk $0xffff, v0;
	v6 =	vor.u32 v34, v3  }
0x5f: {  	[tilespmem:v1+s10+$0x0] =	vst.idx.msk $0xffff, v0;
	v1 =	vor.u32 v35, v3  }
0x60: {  	[tilespmem:v2+s10+$0x0] =	vst.idx.msk $0xffff, v0;
	v2 =	vor.u32 v27, v3  }
0x61: {  	[tilespmem:v4+s10+$0x0] =	vst.idx.msk $0xffff, v0;
	v4 =	vor.u32 v41, v3  }
0x62: {  	[tilespmem:v5+s10+$0x0] =	vst.idx.msk $0xffff, v0  }
0x63: {  	[tilespmem:v6+s10+$0x0] =	vst.idx.msk $0xffff, v0  }
0x64: {  	[tilespmem:v1+s10+$0x0] =	vst.idx.msk $0xffff, v0  }
0x65: {  	[tilespmem:v2+s10+$0x0] =	vst.idx.msk $0xffff, v0  }
0x66: {  	[tilespmem:v4+s10+$0x0] =	vst.idx.msk $0xffff, v0;
	v4 =	vld [tilespmem:$0x1FC10]  }
0x67: {  	v5 =	vor.u32 v37, v3  }
0x68: {  	v6 =	vor.u32 v38, v3  }
0x69: {  	v1 =	vor.u32 v40, v3  }
0x6a: {  	v2 =	vor.u32 v57, v3  }
0x6b: {  	v4 =	vor.u32 v4, v3  }
0x6c: {  	[tilespmem:v5+s10+$0x0] =	vst.idx.msk $0xffff, v0;
	v5 =	vor.u32 v30, v3  }
0x6d: {  	[tilespmem:v6+s10+$0x0] =	vst.idx.msk $0xffff, v0;
	v6 =	vor.u32 v44, v3  }
0x6e: {  	[tilespmem:v1+s10+$0x0] =	vst.idx.msk $0xffff, v0;
	v1 =	vor.u32 v36, v3  }
0x6f: {  	[tilespmem:v2+s10+$0x0] =	vst.idx.msk $0xffff, v0;
	v2 =	vor.u32 v33, v3  }
0x70: {  	[tilespmem:v4+s10+$0x0] =	vst.idx.msk $0xffff, v0;
	v4 =	vor.u32 v43, v3  }
0x71: {  	[tilespmem:v5+s10+$0x0] =	vst.idx.msk $0xffff, v0;
	v5 =	vor.u32 v63, v3  }
0x72: {  	[tilespmem:v6+s10+$0x0] =	vst.idx.msk $0xffff, v0;
	v6 =	vor.u32 v47, v3  }
0x73: {  	[tilespmem:v1+s10+$0x0] =	vst.idx.msk $0xffff, v0;
	v1 =	vor.u32 v50, v3  }
0x74: {  	[tilespmem:v2+s10+$0x0] =	vst.idx.msk $0xffff, v0;
	v2 =	vor.u32 v60, v3  }
0x75: {  	[tilespmem:v4+s10+$0x0] =	vst.idx.msk $0xffff, v0;
	v4 =	vor.u32 v39, v3  }
0x76: {  	[tilespmem:v5+s10+$0x0] =	vst.idx.msk $0xffff, v0;
	v5 =	vor.u32 v46, v3  }
0x77: {  	[tilespmem:v6+s10+$0x0] =	vst.idx.msk $0xffff, v0;
	v6 =	vor.u32 v49, v3  }
0x78: {  	[tilespmem:v1+s10+$0x0] =	vst.idx.msk $0xffff, v0;
	v1 =	vor.u32 v42, v3  }
0x79: {  	[tilespmem:v2+s10+$0x0] =	vst.idx.msk $0xffff, v0;
	v2 =	vor.u32 v53, v3  }
0x7a: {  	[tilespmem:v4+s10+$0x0] =	vst.idx.msk $0xffff, v0;
	v4 =	vor.u32 v52, v3  }
0x7b: {  	[tilespmem:v5+s10+$0x0] =	vst.idx.msk $0xffff, v0;
	v5 =	vor.u32 v55, v3  }
0x7c: {  	[tilespmem:v6+s10+$0x0] =	vst.idx.msk $0xffff, v0;
	v6 =	vor.u32 v45, v3  }
0x7d: {  	[tilespmem:v1+s10+$0x0] =	vst.idx.msk $0xffff, v0;
	v1 =	vor.u32 v56, v3  }
0x7e: {  	[tilespmem:v2+s10+$0x0] =	vst.idx.msk $0xffff, v0  }
0x7f: {  	[tilespmem:v4+s10+$0x0] =	vst.idx.msk $0xffff, v0  }
0x80: {  	[tilespmem:v5+s10+$0x0] =	vst.idx.msk $0xffff, v0  }
0x81: {  	[tilespmem:v6+s10+$0x0] =	vst.idx.msk $0xffff, v0  }
0x82: {  	[tilespmem:v1+s10+$0x0] =	vst.idx.msk $0xffff, v0;
	v1 =	vor.u32 v51, v3  }
0x83: {  	[tilespmem:$0x1FC00] =	vst v1;
	v1 =	vld [tilespmem:$0x1FBE0];
	_ =	sdelay $0x3  }
0x84: {  	v2 =	vor.u32 v48, v3;
	v6 =	vor.u32 v61, v3  }
0x85: {  	v4 =	vor.u32 v59, v3;
	[tilespmem:$0x1FBF0] =	vst v6;
	v6 =	vor.u32 v1, v12;
	v1 =	vld [tilespmem:$0x1FC20]  }
0x86: {  	v5 =	vor.u32 v58, v3;
	_ =	sdelay $0x2  }
0x87: {  	[tilespmem:v2+s10+$0x0] =	vst.idx.msk $0xffff, v0  }
0x88: {  	[tilespmem:v4+s10+$0x0] =	vst.idx.msk $0xffff, v0;
	v4 =	vor.u32 v1, v6;
	v1 =	vld [tilespmem:$0x1FBF0]  }
0x89: {  	[tilespmem:v5+s10+$0x0] =	vst.idx.msk $0xffff, v0;
	v5 =	vld [tilespmem:$0x1FC00];
	_ =	sdelay $0x3  }
0x8a: {  	v2 =	vor.u32 v62, v3;
	_ =	sdelay $0x1  }
0x8b: {  	v3 =	vor.u32 v54, v3  }
0x8c: {  	[tilespmem:v1+s10+$0x0] =	vst.idx.msk $0xffff, v0  }
0x8d: {  	v1 =	vor.u32 v7, v6;
	[tilespmem:v5+s10+$0x0] =	vst.idx.msk $0xffff, v0;
	v5 =	vld [tilespmem:$0x1FC30]  }
0x8e: {  	[tilespmem:v2+s10+$0x0] =	vst.idx.msk $0xffff, v0;
	v2 =	vld [tilespmem:$0x1FC40];
	_ =	sdelay $0x1  }
0x8f: {  	[tilespmem:v3+s10+$0x0] =	vst.idx.msk $0xffff, v0  }
0x90: {  	[tilespmem:v4+s10+$0x0] =	vst.idx.msk $0xffff, v0  }
0x91: {  	[tilespmem:v1+s10+$0x0] =	vst.idx.msk $0xffff, v0;
	v1 =	vld [tilespmem:$0x1FC60]  }
0x92: {  	v7 =	vor.u32 v5, v6;
	v5 =	vor.u32 v2, v6;
	v2 =	vld [tilespmem:$0x1FC50];
	_ =	sdelay $0x3  }
0x93: {  	v3 =	vld [tilespmem:$0x1FC80]  }
0x94: {  	v4 =	vor.u32 v2, v6;
	v2 =	vor.u32 v1, v6;
	v1 =	vld [tilespmem:$0x1FC70];
	_ =	sdelay $0x4  }
0x95: {  	s15 =	simm.s32 $0x1;
	v3 =	vor.u32 v3, v6;
	[tilespmem:v7+s10+$0x0] =	vst.idx.msk $0xffff, v0;
	v1 =	vor.u32 v1, v6  }
.LBB2_2:
0x96: {  	_ = 	snop  }
0x97: {  	v6 =	vmov s15;
	[tilespmem:v5+s10+$0x0] =	vst.idx.msk $0xffff, v0  }
0x98: {  	[tilespmem:v4+s10+$0x0] =	vst.idx.msk $0xffff, v0  }
0x99: {  	v5 =	vshll.u32 v6, $0xA;
	v7 =	vshll.u32 v6, $0x7;
	[tilespmem:v2+s10+$0x0] =	vst.idx.msk $0xffff, v0  }
0x9a: {  	v4 =	vand.u32 $0x2000, v5;
	v7 =	vand.u32 $0x380, v7;
	[tilespmem:v1+s10+$0x0] =	vst.idx.msk $0xffff, v0  }
0x9b: {  	v2 =	vor.u32 v7, v4;
	[tilespmem:v3+s10+$0x0] =	vst.idx.msk $0xffff, v0  }
0x9c: {  	v1 =	vor.u32 v11, v2;
	v0 =	vld.idx.msk [tilespmem:v6+s3+$0x0], $0xffff  }
0x9d: {  	v3 =	vor.u32 v9, v2  }
0x9e: {  	v4 =	vor.u32 v10, v2  }
0x9f: {  	v7 =	vor.u32 v7, v5;
	v5 =	vor.u32 v8, v2  }
0xa0: {  	v6 =	vor.u32 v13, v2  }
0xa1: {  	[tilespmem:v1+s10+$0x0] =	vst.idx.msk $0xffff, v0;
	v1 =	vor.u32 v14, v2  }
0xa2: {  	[tilespmem:v3+s10+$0x0] =	vst.idx.msk $0xffff, v0;
	v3 =	vor.u32 v15, v2  }
0xa3: {  	[tilespmem:v4+s10+$0x0] =	vst.idx.msk $0xffff, v0;
	v4 =	vor.u32 v16, v2  }
0xa4: {  	[tilespmem:v5+s10+$0x0] =	vst.idx.msk $0xffff, v0;
	v5 =	vor.u32 v17, v2  }
0xa5: {  	[tilespmem:v6+s10+$0x0] =	vst.idx.msk $0xffff, v0;
	v6 =	vor.u32 v20, v2  }
0xa6: {  	[tilespmem:v1+s10+$0x0] =	vst.idx.msk $0xffff, v0;
	v1 =	vor.u32 v19, v2  }
0xa7: {  	[tilespmem:v3+s10+$0x0] =	vst.idx.msk $0xffff, v0;
	v3 =	vor.u32 v23, v2  }
0xa8: {  	[tilespmem:v4+s10+$0x0] =	vst.idx.msk $0xffff, v0;
	v4 =	vor.u32 v18, v2  }
0xa9: {  	[tilespmem:v5+s10+$0x0] =	vst.idx.msk $0xffff, v0;
	v5 =	vor.u32 v26, v2  }
0xaa: {  	[tilespmem:v6+s10+$0x0] =	vst.idx.msk $0xffff, v0;
	v6 =	vor.u32 v21, v2  }
0xab: {  	[tilespmem:v1+s10+$0x0] =	vst.idx.msk $0xffff, v0;
	v1 =	vor.u32 v22, v2  }
0xac: {  	[tilespmem:v3+s10+$0x0] =	vst.idx.msk $0xffff, v0;
	v3 =	vor.u32 v29, v2  }
0xad: {  	[tilespmem:v4+s10+$0x0] =	vst.idx.msk $0xffff, v0;
	v4 =	vor.u32 v24, v2  }
0xae: {  	[tilespmem:v5+s10+$0x0] =	vst.idx.msk $0xffff, v0;
	v5 =	vor.u32 v25, v2  }
0xaf: {  	[tilespmem:v6+s10+$0x0] =	vst.idx.msk $0xffff, v0;
	v6 =	vor.u32 v31, v2  }
0xb0: {  	[tilespmem:v1+s10+$0x0] =	vst.idx.msk $0xffff, v0;
	v1 =	vor.u32 v32, v2  }
0xb1: {  	[tilespmem:v3+s10+$0x0] =	vst.idx.msk $0xffff, v0;
	v3 =	vor.u32 v28, v2  }
0xb2: {  	[tilespmem:v4+s10+$0x0] =	vst.idx.msk $0xffff, v0;
	v4 =	vor.u32 v34, v2  }
0xb3: {  	[tilespmem:v5+s10+$0x0] =	vst.idx.msk $0xffff, v0;
	v5 =	vor.u32 v35, v2  }
0xb4: {  	[tilespmem:v6+s10+$0x0] =	vst.idx.msk $0xffff, v0;
	v6 =	vor.u32 v27, v2  }
0xb5: {  	[tilespmem:v1+s10+$0x0] =	vst.idx.msk $0xffff, v0;
	v1 =	vor.u32 v41, v2  }
0xb6: {  	[tilespmem:v3+s10+$0x0] =	vst.idx.msk $0xffff, v0  }
0xb7: {  	[tilespmem:v4+s10+$0x0] =	vst.idx.msk $0xffff, v0  }
0xb8: {  	[tilespmem:v5+s10+$0x0] =	vst.idx.msk $0xffff, v0  }
0xb9: {  	[tilespmem:v6+s10+$0x0] =	vst.idx.msk $0xffff, v0  }
0xba: {  	[tilespmem:v1+s10+$0x0] =	vst.idx.msk $0xffff, v0;
	v1 =	vld [tilespmem:$0x1FC10]  }
0xbb: {  	v3 =	vor.u32 v37, v2  }
0xbc: {  	v4 =	vor.u32 v38, v2  }
0xbd: {  	v5 =	vor.u32 v40, v2  }
0xbe: {  	v6 =	vor.u32 v57, v2  }
0xbf: {  	v1 =	vor.u32 v1, v2  }
0xc0: {  	[tilespmem:v3+s10+$0x0] =	vst.idx.msk $0xffff, v0;
	v3 =	vor.u32 v30, v2  }
0xc1: {  	[tilespmem:v4+s10+$0x0] =	vst.idx.msk $0xffff, v0;
	v4 =	vor.u32 v44, v2  }
0xc2: {  	[tilespmem:v5+s10+$0x0] =	vst.idx.msk $0xffff, v0;
	v5 =	vor.u32 v36, v2  }
0xc3: {  	[tilespmem:v6+s10+$0x0] =	vst.idx.msk $0xffff, v0;
	v6 =	vor.u32 v33, v2  }
0xc4: {  	[tilespmem:v1+s10+$0x0] =	vst.idx.msk $0xffff, v0;
	v1 =	vor.u32 v43, v2  }
0xc5: {  	[tilespmem:v3+s10+$0x0] =	vst.idx.msk $0xffff, v0;
	v3 =	vor.u32 v63, v2  }
0xc6: {  	[tilespmem:v4+s10+$0x0] =	vst.idx.msk $0xffff, v0;
	v4 =	vor.u32 v47, v2  }
0xc7: {  	[tilespmem:v5+s10+$0x0] =	vst.idx.msk $0xffff, v0;
	v5 =	vor.u32 v50, v2  }
0xc8: {  	[tilespmem:v6+s10+$0x0] =	vst.idx.msk $0xffff, v0;
	v6 =	vor.u32 v60, v2  }
0xc9: {  	[tilespmem:v1+s10+$0x0] =	vst.idx.msk $0xffff, v0;
	v1 =	vor.u32 v39, v2  }
0xca: {  	[tilespmem:v3+s10+$0x0] =	vst.idx.msk $0xffff, v0;
	v3 =	vor.u32 v46, v2  }
0xcb: {  	[tilespmem:v4+s10+$0x0] =	vst.idx.msk $0xffff, v0;
	v4 =	vor.u32 v49, v2  }
0xcc: {  	[tilespmem:v5+s10+$0x0] =	vst.idx.msk $0xffff, v0;
	v5 =	vor.u32 v42, v2  }
0xcd: {  	[tilespmem:v6+s10+$0x0] =	vst.idx.msk $0xffff, v0;
	v6 =	vor.u32 v53, v2  }
0xce: {  	[tilespmem:v1+s10+$0x0] =	vst.idx.msk $0xffff, v0;
	v1 =	vor.u32 v52, v2  }
0xcf: {  	[tilespmem:v3+s10+$0x0] =	vst.idx.msk $0xffff, v0;
	v3 =	vor.u32 v55, v2  }
0xd0: {  	[tilespmem:v4+s10+$0x0] =	vst.idx.msk $0xffff, v0;
	v4 =	vor.u32 v45, v2  }
0xd1: {  	[tilespmem:v5+s10+$0x0] =	vst.idx.msk $0xffff, v0;
	v5 =	vor.u32 v56, v2  }
0xd2: {  	[tilespmem:v6+s10+$0x0] =	vst.idx.msk $0xffff, v0;
	v6 =	vor.u32 v48, v2  }
0xd3: {  	[tilespmem:v1+s10+$0x0] =	vst.idx.msk $0xffff, v0;
	v1 =	vor.u32 v59, v2  }
0xd4: {  	[tilespmem:v3+s10+$0x0] =	vst.idx.msk $0xffff, v0;
	v3 =	vor.u32 v58, v2  }
0xd5: {  	[tilespmem:v4+s10+$0x0] =	vst.idx.msk $0xffff, v0;
	v4 =	vor.u32 v61, v2  }
0xd6: {  	[tilespmem:v5+s10+$0x0] =	vst.idx.msk $0xffff, v0  }
0xd7: {  	v5 =	vor.u32 v51, v2;
	[tilespmem:v6+s10+$0x0] =	vst.idx.msk $0xffff, v0  }
0xd8: {  	v6 =	vor.u32 v62, v2;
	[tilespmem:v1+s10+$0x0] =	vst.idx.msk $0xffff, v0  }
0xd9: {  	v1 =	vor.u32 v54, v2;
	[tilespmem:v3+s10+$0x0] =	vst.idx.msk $0xffff, v0  }
0xda: {  	[tilespmem:v4+s10+$0x0] =	vst.idx.msk $0xffff, v0;
	v4 =	vld [tilespmem:$0x1FC30];
	_ =	sdelay $0x1  }
0xdb: {  	v2 =	vld [tilespmem:$0x1FC20];
	[tilespmem:v5+s10+$0x0] =	vst.idx.msk $0xffff, v0  }
0xdc: {  	v3 =	vld [tilespmem:$0x1FFE0];
	[tilespmem:v6+s10+$0x0] =	vst.idx.msk $0xffff, v0  }
0xdd: {  	[tilespmem:v1+s10+$0x0] =	vst.idx.msk $0xffff, v0;
	v1 =	vld [tilespmem:$0x1FC50]  }
0xde: {  	v12 =	vor.u32 v4, v7;
	v4 =	vld [tilespmem:$0x1FC40];
	_ =	sdelay $0x2  }
0xdf: {  	v2 =	vor.u32 v2, v7  }
0xe0: {  	v3 =	vor.u32 v3, v7  }
0xe1: {  	v5 =	vor.u32 v4, v7;
	v4 =	vor.u32 v1, v7;
	v1 =	vld [tilespmem:$0x1FC60];
	_ =	sdelay $0x2  }
0xe2: {  	[tilespmem:v2+s10+$0x0] =	vst.idx.msk $0xffff, v0  }
0xe3: {  	[tilespmem:v3+s10+$0x0] =	vst.idx.msk $0xffff, v0;
	v3 =	vld [tilespmem:$0x1FC80]  }
0xe4: {  	p0 =	sne.s32 s15, $0xF;
	v2 =	vor.u32 v1, v7;
	v1 =	vld [tilespmem:$0x1FC70]  }
.Ltmp0:
0xe5: {  	_ = 	snop;
	(pc) =	sbr.rel @p0 .LBB2_2-.Ltmp0, $2  }
0xe6: {  	_ =	sdelay $0x2  }
0xe7: {  	s15 =	sadd.s32 $0x1, s15;
	[tilespmem:v12+s10+$0x0] =	vst.idx.msk $0xffff, v0;
	v3 =	vor.u32 v3, v7;
	v1 =	vor.u32 v1, v7  }
0xe8: {  	_ =	sdelay $0x3  }
0xe9: {  	[tilespmem:v5+s10+$0x0] =	vst.idx.msk $0xffff, v0  }
0xea: {  	s15 =	simm.s32 $0x10;
	s16 =	simm.s32 $0x0;
	[tilespmem:v4+s10+$0x0] =	vst.idx.msk $0xffff, v0  }
0xeb: {  	v4 =	vmov s15;
	[tilespmem:v2+s10+$0x0] =	vst.idx.msk $0xffff, v0;
	v2 =	vmov s16  }
0xec: {  	[tilespmem:v1+s10+$0x0] =	vst.idx.msk $0xffff, v0;
	v1 =	vshll.u32 v2, $0xA  }
0xed: {  	v2 =	vshll.u32 v2, $0x7;
	[tilespmem:$0x1FBC0] =	vst v1  }
0xee: {  	[tilespmem:v3+s10+$0x0] =	vst.idx.msk $0xffff, v0;
	v0 =	vand.u32 $0x2000, v1;
	v1 =	vand.u32 $0x380, v2  }
0xef: {  	[hbm4b:s5+s16] =	stream.linear.scatter [tilespmem:s10], [sflag:$0x1], $0x4000, $0x38;
	v3 =	vor.u32 v1, v0;
	[tilespmem:$0x8C80] =	vst v63  }
0xf0: {  	v0 =	vld.idx.msk [tilespmem:v4+s3+$0x0], $0xffff;
	v4 =	vor.u32 v11, v3  }
0xf1: {  	v5 =	vor.u32 v9, v3  }
0xf2: {  	v6 =	vor.u32 v10, v3  }
0xf3: {  	v7 =	vor.u32 v8, v3  }
0xf4: {  	[tilespmem:$0x1FBD0] =	vst v1;
	v1 =	vor.u32 v13, v3  }
0xf5: {  	[tilespmem:v4+s11+$0x0] =	vst.idx.msk $0xffff, v0;
	v4 =	vor.u32 v14, v3  }
0xf6: {  	[tilespmem:v5+s11+$0x0] =	vst.idx.msk $0xffff, v0;
	v5 =	vor.u32 v15, v3  }
0xf7: {  	[tilespmem:v6+s11+$0x0] =	vst.idx.msk $0xffff, v0;
	v6 =	vor.u32 v16, v3  }
0xf8: {  	[tilespmem:v7+s11+$0x0] =	vst.idx.msk $0xffff, v0;
	v7 =	vor.u32 v17, v3  }
0xf9: {  	[tilespmem:v1+s11+$0x0] =	vst.idx.msk $0xffff, v0;
	v1 =	vor.u32 v20, v3  }
0xfa: {  	[tilespmem:v4+s11+$0x0] =	vst.idx.msk $0xffff, v0;
	v4 =	vor.u32 v19, v3  }
0xfb: {  	[tilespmem:v5+s11+$0x0] =	vst.idx.msk $0xffff, v0;
	v5 =	vor.u32 v23, v3  }
0xfc: {  	[tilespmem:v6+s11+$0x0] =	vst.idx.msk $0xffff, v0;
	v6 =	vor.u32 v18, v3  }
0xfd: {  	[tilespmem:v7+s11+$0x0] =	vst.idx.msk $0xffff, v0;
	v7 =	vor.u32 v26, v3  }
0xfe: {  	[tilespmem:v1+s11+$0x0] =	vst.idx.msk $0xffff, v0;
	v1 =	vor.u32 v21, v3  }
0xff: {  	[tilespmem:v4+s11+$0x0] =	vst.idx.msk $0xffff, v0;
	v4 =	vor.u32 v22, v3  }
0x100: {  	[tilespmem:v5+s11+$0x0] =	vst.idx.msk $0xffff, v0;
	v5 =	vor.u32 v29, v3  }
0x101: {  	[tilespmem:v6+s11+$0x0] =	vst.idx.msk $0xffff, v0;
	v6 =	vor.u32 v24, v3  }
0x102: {  	[tilespmem:v7+s11+$0x0] =	vst.idx.msk $0xffff, v0;
	v7 =	vor.u32 v25, v3  }
0x103: {  	[tilespmem:v1+s11+$0x0] =	vst.idx.msk $0xffff, v0;
	v1 =	vor.u32 v31, v3  }
0x104: {  	[tilespmem:v4+s11+$0x0] =	vst.idx.msk $0xffff, v0;
	v4 =	vor.u32 v32, v3  }
0x105: {  	[tilespmem:v5+s11+$0x0] =	vst.idx.msk $0xffff, v0;
	v5 =	vor.u32 v28, v3  }
0x106: {  	[tilespmem:v6+s11+$0x0] =	vst.idx.msk $0xffff, v0;
	v6 =	vor.u32 v34, v3  }
0x107: {  	[tilespmem:v7+s11+$0x0] =	vst.idx.msk $0xffff, v0  }
0x108: {  	[tilespmem:v1+s11+$0x0] =	vst.idx.msk $0xffff, v0  }
0x109: {  	v13 =	vmov v21;
	v7 =	vor.u32 v35, v3;
	[tilespmem:v4+s11+$0x0] =	vst.idx.msk $0xffff, v0  }
0x10a: {  	v21 =	vmovc v29;
	v29 =	vmov v28;
	v28 =	vmov v35;
	v1 =	vor.u32 v27, v3;
	[tilespmem:v5+s11+$0x0] =	vst.idx.msk $0xffff, v0  }
0x10b: {  	v35 =	vmov v38;
	v4 =	vor.u32 v41, v3;
	[tilespmem:v6+s11+$0x0] =	vst.idx.msk $0xffff, v0;
	v6 =	vor.u32 v38, v3;
	v38 =	vld [tilespmem:$0x1FC10]  }
0x10c: {  	v5 =	vor.u32 v37, v3;
	_ =	sdelay $0x1  }
0x10d: {  	[tilespmem:v7+s11+$0x0] =	vst.idx.msk $0xffff, v0;
	v7 =	vor.u32 v40, v3  }
0x10e: {  	[tilespmem:v1+s11+$0x0] =	vst.idx.msk $0xffff, v0;
	v1 =	vor.u32 v57, v3  }
0x10f: {  	[tilespmem:v4+s11+$0x0] =	vst.idx.msk $0xffff, v0;
	v4 =	vor.u32 v38, v3  }
0x110: {  	[tilespmem:v5+s11+$0x0] =	vst.idx.msk $0xffff, v0;
	v5 =	vor.u32 v30, v3  }
0x111: {  	[tilespmem:v6+s11+$0x0] =	vst.idx.msk $0xffff, v0;
	v6 =	vor.u32 v44, v3  }
0x112: {  	[tilespmem:v7+s11+$0x0] =	vst.idx.msk $0xffff, v0;
	v7 =	vor.u32 v36, v3  }
0x113: {  	[tilespmem:v1+s11+$0x0] =	vst.idx.msk $0xffff, v0;
	v1 =	vor.u32 v33, v3  }
0x114: {  	[tilespmem:v4+s11+$0x0] =	vst.idx.msk $0xffff, v0;
	v4 =	vor.u32 v43, v3  }
0x115: {  	[tilespmem:v5+s11+$0x0] =	vst.idx.msk $0xffff, v0;
	v5 =	vor.u32 v63, v3  }
0x116: {  	[tilespmem:v6+s11+$0x0] =	vst.idx.msk $0xffff, v0;
	v6 =	vor.u32 v47, v3  }
0x117: {  	[tilespmem:v7+s11+$0x0] =	vst.idx.msk $0xffff, v0;
	v7 =	vor.u32 v50, v3  }
0x118: {  	[tilespmem:v1+s11+$0x0] =	vst.idx.msk $0xffff, v0;
	v1 =	vor.u32 v60, v3  }
0x119: {  	[tilespmem:v4+s11+$0x0] =	vst.idx.msk $0xffff, v0;
	v4 =	vor.u32 v39, v3  }
0x11a: {  	[tilespmem:v5+s11+$0x0] =	vst.idx.msk $0xffff, v0;
	v5 =	vor.u32 v46, v3  }
0x11b: {  	[tilespmem:v6+s11+$0x0] =	vst.idx.msk $0xffff, v0;
	v6 =	vor.u32 v49, v3  }
0x11c: {  	[tilespmem:v7+s11+$0x0] =	vst.idx.msk $0xffff, v0;
	v7 =	vor.u32 v42, v3  }
0x11d: {  	[tilespmem:v1+s11+$0x0] =	vst.idx.msk $0xffff, v0;
	v1 =	vor.u32 v53, v3  }
0x11e: {  	[tilespmem:v4+s11+$0x0] =	vst.idx.msk $0xffff, v0;
	v4 =	vor.u32 v52, v3  }
0x11f: {  	[tilespmem:v5+s11+$0x0] =	vst.idx.msk $0xffff, v0;
	v5 =	vor.u32 v55, v3  }
0x120: {  	[tilespmem:v6+s11+$0x0] =	vst.idx.msk $0xffff, v0;
	v6 =	vor.u32 v45, v3  }
0x121: {  	[tilespmem:v7+s11+$0x0] =	vst.idx.msk $0xffff, v0;
	v7 =	vor.u32 v56, v3  }
0x122: {  	[tilespmem:v1+s11+$0x0] =	vst.idx.msk $0xffff, v0;
	v1 =	vor.u32 v48, v3  }
0x123: {  	[tilespmem:v4+s11+$0x0] =	vst.idx.msk $0xffff, v0;
	v4 =	vor.u32 v59, v3  }
0x124: {  	[tilespmem:v5+s11+$0x0] =	vst.idx.msk $0xffff, v0;
	v5 =	vor.u32 v58, v3  }
0x125: {  	[tilespmem:v6+s11+$0x0] =	vst.idx.msk $0xffff, v0;
	v6 =	vor.u32 v61, v3  }
0x126: {  	v12 =	vmovc v40;
	v40 =	vmov v44;
	v44 =	vmov v63;
	v63 =	vld [tilespmem:$0x1FBD0];
	[tilespmem:v7+s11+$0x0] =	vst.idx.msk $0xffff, v0;
	v7 =	vor.u32 v51, v3  }
0x127: {  	v2 =	vor.u32 v62, v3;
	[tilespmem:v1+s11+$0x0] =	vst.idx.msk $0xffff, v0;
	v1 =	vld [tilespmem:$0x1FBC0]  }
0x128: {  	[tilespmem:v4+s11+$0x0] =	vst.idx.msk $0xffff, v0;
	v4 =	vor.u32 v54, v3;
	v3 =	vld [tilespmem:$0x1FC20]  }
0x129: {  	[tilespmem:v5+s11+$0x0] =	vst.idx.msk $0xffff, v0  }
0x12a: {  	[tilespmem:v6+s11+$0x0] =	vst.idx.msk $0xffff, v0  }
0x12b: {  	[tilespmem:v7+s11+$0x0] =	vst.idx.msk $0xffff, v0  }
0x12c: {  	v1 =	vor.u32 v63, v1;
	[tilespmem:v2+s11+$0x0] =	vst.idx.msk $0xffff, v0;
	v2 =	vld [tilespmem:$0x1FC80]  }
0x12d: {  	v5 =	vor.u32 v3, v1;
	v3 =	vld [tilespmem:$0x1FFE0]  }
0x12e: {  	v14 =	vmovc v16;
	v15 =	vmovc v17;
	v16 =	vmov v19;
	v17 =	vmov v20;
	v20 =	vmov v18  }
0x12f: {  	v19 =	vmovc v23;
	v23 =	vmovc v22;
	v18 =	vmov v26;
	v26 =	vmov v25;
	v22 =	vmov v24  }
0x130: {  	v24 =	vmovc v31;
	v25 =	vmovc v32;
	v31 =	vmov v34;
	v32 =	vmov v27;
	v34 =	vmov v37  }
0x131: {  	v27 =	vmovc v41;
	v41 =	vmovc v36;
	v37 =	vmov v57;
	v36 =	vmov v60;
	v7 =	vor.u32 v2, v1;
	v2 =	vld [tilespmem:$0x1FC30]  }
0x132: {  	v57 =	vmovc v45;
	v60 =	vmovc v48;
	v45 =	vmov v33;
	v33 =	vmov v31;
	v6 =	vor.u32 v3, v1  }
0x133: {  	v31 =	vmovc v25;
	v25 =	vmovc v13;
	v13 =	vmov v62;
	v62 =	vmov v59;
	v48 =	vmov v36  }
0x134: {  	v36 =	vmovc v27;
	v27 =	vmovc v21;
	v21 =	vmov v16;
	v59 =	vmov v56;
	v56 =	vmov v53;
	[tilespmem:v4+s11+$0x0] =	vst.idx.msk $0xffff, v0;
	v4 =	vld [tilespmem:$0x1FC50]  }
0x135: {  	v53 =	vmovc v50;
	v50 =	vmovc v47;
	v47 =	vmov v44;
	v44 =	vmov v41;
	v41 =	vmov v38;
	[tilespmem:v5+s11+$0x0] =	vst.idx.msk $0xffff, v0;
	v5 =	vld [tilespmem:$0x1FC60]  }
0x136: {  	v38 =	vmovc v35;
	v35 =	vmovc v32;
	v32 =	vmov v29;
	v29 =	vmov v26;
	v3 =	vor.u32 v2, v1;
	v2 =	vld [tilespmem:$0x1FC40]  }
0x137: {  	v26 =	vmovc v23;
	v23 =	vmovc v20;
	v20 =	vmov v17;
	v54 =	vmov v42;
	v42 =	vmov v30;
	[tilespmem:v6+s11+$0x0] =	vst.idx.msk $0xffff, v0;
	v6 =	vld [tilespmem:$0x1FC70]  }
0x138: {  	v30 =	vmovc v24;
	v24 =	vmovc v18;
	v18 =	vmov v14;
	v63 =	vmov v51;
	v51 =	vmov v39  }
0x139: {  	v39 =	vmovc v12;
	v12 =	vmovc v61;
	v61 =	vmov v58;
	v58 =	vmov v55;
	v55 =	vmov v52  }
0x13a: {  	v52 =	vmovc v49;
	v49 =	vmovc v46;
	v46 =	vmov v43;
	v43 =	vmov v40;
	v40 =	vmov v37  }
0x13b: {  	v16 =	vld [tilespmem:$0x1FCA0];
	v37 =	vmovc v34;
	v34 =	vmovc v28;
	v28 =	vmov v22;
	v22 =	vmov v19;
	v4 =	vor.u32 v4, v1  }
0x13c: {  	s15 =	simm.s32 $0x1;
	v17 =	vld [tilespmem:$0x1FCB0];
	v19 =	vmovc v15;
	v5 =	vor.u32 v5, v1;
	v2 =	vor.u32 v2, v1;
	v1 =	vor.u32 v6, v1  }
.LBB2_4:
0x13d: {  	_ =	sdelay $0x2  }
0x13e: {  	[tilespmem:v3+s11+$0x0] =	vst.idx.msk $0xffff, v0  }
0x13f: {  	s17 =	smov.u32 s15;
	[tilespmem:v2+s11+$0x0] =	vst.idx.msk $0xffff, v0  }
0x140: {  	v2 =	vmov s17;
	[tilespmem:v4+s11+$0x0] =	vst.idx.msk $0xffff, v0  }
0x141: {  	s16 =	sadd.s32 $0x10, s15;
	v4 =	vshll.u32 v2, $0xA;
	v2 =	vshll.u32 v2, $0x7;
	[tilespmem:v5+s11+$0x0] =	vst.idx.msk $0xffff, v0  }
0x142: {  	v3 =	vmov s16;
	v5 =	vand.u32 $0x380, v2;
	[tilespmem:v1+s11+$0x0] =	vst.idx.msk $0xffff, v0;
	v1 =	vand.u32 $0x2000, v4  }
0x143: {  	v2 =	vor.u32 v5, v1;
	v1 =	vor.u32 v5, v4;
	v4 =	vld [tilespmem:$0x1FC80];
	_ =	sdelay $0x2  }
0x144: {  	[tilespmem:v7+s11+$0x0] =	vst.idx.msk $0xffff, v0;
	v7 =	vld [tilespmem:$0x1FC90]  }
0x145: {  	v0 =	vld.idx.msk [tilespmem:v3+s3+$0x0], $0xffff;
	v3 =	vor.u32 v11, v2  }
0x146: {  	v15 =	vor.u32 v4, v1;
	v4 =	vor.u32 v9, v2  }
0x147: {  	v5 =	vor.u32 v10, v2  }
0x148: {  	v6 =	vor.u32 v8, v2  }
0x149: {  	v7 =	vor.u32 v7, v2  }
0x14a: {  	[tilespmem:v3+s11+$0x0] =	vst.idx.msk $0xffff, v0;
	v3 =	vor.u32 v16, v2  }
0x14b: {  	[tilespmem:v4+s11+$0x0] =	vst.idx.msk $0xffff, v0;
	v4 =	vor.u32 v17, v2  }
0x14c: {  	[tilespmem:v5+s11+$0x0] =	vst.idx.msk $0xffff, v0;
	v5 =	vor.u32 v18, v2  }
0x14d: {  	[tilespmem:v6+s11+$0x0] =	vst.idx.msk $0xffff, v0;
	v6 =	vor.u32 v19, v2  }
0x14e: {  	[tilespmem:v7+s11+$0x0] =	vst.idx.msk $0xffff, v0;
	v7 =	vor.u32 v20, v2  }
0x14f: {  	[tilespmem:v3+s11+$0x0] =	vst.idx.msk $0xffff, v0;
	v3 =	vor.u32 v21, v2  }
0x150: {  	[tilespmem:v4+s11+$0x0] =	vst.idx.msk $0xffff, v0;
	v4 =	vor.u32 v22, v2  }
0x151: {  	[tilespmem:v5+s11+$0x0] =	vst.idx.msk $0xffff, v0;
	v5 =	vor.u32 v23, v2  }
0x152: {  	[tilespmem:v6+s11+$0x0] =	vst.idx.msk $0xffff, v0;
	v6 =	vor.u32 v24, v2  }
0x153: {  	[tilespmem:v7+s11+$0x0] =	vst.idx.msk $0xffff, v0;
	v7 =	vor.u32 v25, v2  }
0x154: {  	[tilespmem:v3+s11+$0x0] =	vst.idx.msk $0xffff, v0;
	v3 =	vor.u32 v26, v2  }
0x155: {  	[tilespmem:v4+s11+$0x0] =	vst.idx.msk $0xffff, v0;
	v4 =	vor.u32 v27, v2  }
0x156: {  	[tilespmem:v5+s11+$0x0] =	vst.idx.msk $0xffff, v0;
	v5 =	vor.u32 v28, v2  }
0x157: {  	[tilespmem:v6+s11+$0x0] =	vst.idx.msk $0xffff, v0;
	v6 =	vor.u32 v29, v2  }
0x158: {  	[tilespmem:v7+s11+$0x0] =	vst.idx.msk $0xffff, v0;
	v7 =	vor.u32 v30, v2  }
0x159: {  	[tilespmem:v3+s11+$0x0] =	vst.idx.msk $0xffff, v0;
	v3 =	vor.u32 v31, v2  }
0x15a: {  	[tilespmem:v4+s11+$0x0] =	vst.idx.msk $0xffff, v0;
	v4 =	vor.u32 v32, v2  }
0x15b: {  	[tilespmem:v5+s11+$0x0] =	vst.idx.msk $0xffff, v0;
	v5 =	vor.u32 v33, v2  }
0x15c: {  	[tilespmem:v6+s11+$0x0] =	vst.idx.msk $0xffff, v0;
	v6 =	vor.u32 v34, v2  }
0x15d: {  	[tilespmem:v7+s11+$0x0] =	vst.idx.msk $0xffff, v0;
	v7 =	vor.u32 v35, v2  }
0x15e: {  	[tilespmem:v3+s11+$0x0] =	vst.idx.msk $0xffff, v0;
	v3 =	vor.u32 v36, v2  }
0x15f: {  	[tilespmem:v4+s11+$0x0] =	vst.idx.msk $0xffff, v0;
	v4 =	vor.u32 v37, v2  }
0x160: {  	[tilespmem:v5+s11+$0x0] =	vst.idx.msk $0xffff, v0;
	v5 =	vor.u32 v38, v2  }
0x161: {  	[tilespmem:v6+s11+$0x0] =	vst.idx.msk $0xffff, v0;
	v6 =	vor.u32 v39, v2  }
0x162: {  	[tilespmem:v7+s11+$0x0] =	vst.idx.msk $0xffff, v0;
	v7 =	vor.u32 v40, v2  }
0x163: {  	[tilespmem:v3+s11+$0x0] =	vst.idx.msk $0xffff, v0;
	v3 =	vor.u32 v41, v2  }
0x164: {  	[tilespmem:v4+s11+$0x0] =	vst.idx.msk $0xffff, v0;
	v4 =	vor.u32 v42, v2  }
0x165: {  	[tilespmem:v5+s11+$0x0] =	vst.idx.msk $0xffff, v0;
	v5 =	vor.u32 v43, v2  }
0x166: {  	[tilespmem:v6+s11+$0x0] =	vst.idx.msk $0xffff, v0;
	v6 =	vor.u32 v44, v2  }
0x167: {  	[tilespmem:v7+s11+$0x0] =	vst.idx.msk $0xffff, v0;
	v7 =	vor.u32 v45, v2  }
0x168: {  	[tilespmem:v3+s11+$0x0] =	vst.idx.msk $0xffff, v0;
	v3 =	vor.u32 v46, v2  }
0x169: {  	[tilespmem:v4+s11+$0x0] =	vst.idx.msk $0xffff, v0;
	v4 =	vor.u32 v47, v2  }
0x16a: {  	[tilespmem:v5+s11+$0x0] =	vst.idx.msk $0xffff, v0;
	v5 =	vor.u32 v50, v2  }
0x16b: {  	[tilespmem:v6+s11+$0x0] =	vst.idx.msk $0xffff, v0;
	v6 =	vor.u32 v53, v2  }
0x16c: {  	[tilespmem:v7+s11+$0x0] =	vst.idx.msk $0xffff, v0;
	v7 =	vor.u32 v48, v2  }
0x16d: {  	[tilespmem:v3+s11+$0x0] =	vst.idx.msk $0xffff, v0;
	v3 =	vor.u32 v51, v2  }
0x16e: {  	[tilespmem:v4+s11+$0x0] =	vst.idx.msk $0xffff, v0;
	v4 =	vor.u32 v49, v2  }
0x16f: {  	[tilespmem:v5+s11+$0x0] =	vst.idx.msk $0xffff, v0;
	v5 =	vor.u32 v52, v2  }
0x170: {  	[tilespmem:v6+s11+$0x0] =	vst.idx.msk $0xffff, v0;
	v6 =	vor.u32 v54, v2  }
0x171: {  	[tilespmem:v7+s11+$0x0] =	vst.idx.msk $0xffff, v0;
	v7 =	vor.u32 v56, v2  }
0x172: {  	[tilespmem:v3+s11+$0x0] =	vst.idx.msk $0xffff, v0;
	v3 =	vor.u32 v55, v2  }
0x173: {  	[tilespmem:v4+s11+$0x0] =	vst.idx.msk $0xffff, v0;
	v4 =	vor.u32 v58, v2  }
0x174: {  	[tilespmem:v5+s11+$0x0] =	vst.idx.msk $0xffff, v0;
	v5 =	vor.u32 v57, v2  }
0x175: {  	[tilespmem:v6+s11+$0x0] =	vst.idx.msk $0xffff, v0;
	v6 =	vor.u32 v59, v2  }
0x176: {  	[tilespmem:v7+s11+$0x0] =	vst.idx.msk $0xffff, v0;
	v7 =	vor.u32 v60, v2  }
0x177: {  	[tilespmem:v3+s11+$0x0] =	vst.idx.msk $0xffff, v0;
	v3 =	vor.u32 v62, v2  }
0x178: {  	[tilespmem:v4+s11+$0x0] =	vst.idx.msk $0xffff, v0  }
0x179: {  	[tilespmem:v5+s11+$0x0] =	vst.idx.msk $0xffff, v0  }
0x17a: {  	[tilespmem:v6+s11+$0x0] =	vst.idx.msk $0xffff, v0  }
0x17b: {  	[tilespmem:v7+s11+$0x0] =	vst.idx.msk $0xffff, v0  }
0x17c: {  	[tilespmem:v3+s11+$0x0] =	vst.idx.msk $0xffff, v0;
	v3 =	vld [tilespmem:$0x1FFD0];
	_ =	sdelay $0x3  }
0x17d: {  	v4 =	vor.u32 v61, v2;
	v5 =	vor.u32 v12, v2  }
0x17e: {  	v14 =	vmovc v8;
	v6 =	vor.u32 v63, v2;
	v7 =	vor.u32 v13, v2;
	v8 =	vor.u32 v3, v2;
	v2 =	vld [tilespmem:$0x1FC20];
	_ =	sdelay $0x4  }
0x17f: {  	v9 =	vor.u32 v2, v1;
	v2 =	vld [tilespmem:$0x1FFE0];
	_ =	sdelay $0x4  }
0x180: {  	v10 =	vor.u32 v2, v1;
	v2 =	vld [tilespmem:$0x1FC30];
	_ =	sdelay $0x1  }
0x181: {  	[tilespmem:v4+s11+$0x0] =	vst.idx.msk $0xffff, v0;
	v4 =	vld [tilespmem:$0x1FC50]  }
0x182: {  	[tilespmem:v5+s11+$0x0] =	vst.idx.msk $0xffff, v0;
	v5 =	vld [tilespmem:$0x1FC60]  }
0x183: {  	[tilespmem:v6+s11+$0x0] =	vst.idx.msk $0xffff, v0;
	v6 =	vld [tilespmem:$0x1FC70]  }
0x184: {  	p0 =	sne.s32 s15, $0xF;
	v3 =	vor.u32 v2, v1;
	v2 =	vld [tilespmem:$0x1FC40]  }
.Ltmp1:
0x185: {  	_ = 	snop;
	(pc) =	sbr.rel @p0 .LBB2_4-.Ltmp1, $4  }
0x186: {  	[tilespmem:v7+s11+$0x0] =	vst.idx.msk $0xffff, v0  }
0x187: {  	[tilespmem:v8+s11+$0x0] =	vst.idx.msk $0xffff, v0  }
0x188: {  	v7 =	vmov v15;
	v4 =	vor.u32 v4, v1;
	v5 =	vor.u32 v5, v1;
	[tilespmem:v9+s11+$0x0] =	vst.idx.msk $0xffff, v0;
	v9 =	vld [tilespmem:$0x1FFA0]  }
0x189: {  	s15 =	sadd.s32 $0x1, s15;
	v8 =	vmov v14;
	[tilespmem:v10+s11+$0x0] =	vst.idx.msk $0xffff, v0;
	v10 =	vld [tilespmem:$0x1FFC0];
	v2 =	vor.u32 v2, v1;
	v1 =	vor.u32 v6, v1  }
0x18a: {  	_ =	sdelay $0x3  }
0x18b: {  	[tilespmem:v3+s11+$0x0] =	vst.idx.msk $0xffff, v0  }
0x18c: {  	[tilespmem:v2+s11+$0x0] =	vst.idx.msk $0xffff, v0  }
0x18d: {  	[tilespmem:v4+s11+$0x0] =	vst.idx.msk $0xffff, v0  }
0x18e: {  	[tilespmem:v5+s11+$0x0] =	vst.idx.msk $0xffff, v0  }
0x18f: {  	[tilespmem:v1+s11+$0x0] =	vst.idx.msk $0xffff, v0  }
0x190: {  	s15 =	simm.s32 $0x1;
	s16 =	simm.s32 $0x20;
	s17 =	simm.s32 $0x30;
	[tilespmem:v7+s11+$0x0] =	vst.idx.msk $0xffff, v0  }
0x191: {  	[hbm4b:s7+s3] =	stream.linear.scatter [tilespmem:s11], [sflag:$0x2], $0x4000, $0x38;
	[tilespmem:$0x8C80] =	vst v63  }
.LBB2_6:
0x192: {  	s18 =	sadd.s32 $0x0, s16  }
0x193: {  	s19 =	simm.s32 $0x0;
	v0 =	vmov s18  }
0x194: {  	v1 =	vmov s19  }
0x195: {  	_ =	swait.ge [sflag:s12], $0x4000;
	v2 =	vshll.u32 v1, $0xA;
	v1 =	vshll.u32 v1, $0x7  }
0x196: {  	[sflag:s12] =	ssyncset.done $0x0;
	v3 =	vand.u32 $0x2000, v2;
	v1 =	vand.u32 $0x380, v1  }
0x197: {  	[sflag:s12] =	ssyncadd.s32 $0xFFFFC000;
	v3 =	vor.u32 v1, v3  }
0x198: {  	v4 =	vor.u32 v11, v3;
	v0 =	vld.idx.msk [tilespmem:v0+s3+$0x0], $0xffff  }
0x199: {  	v5 =	vor.u32 v9, v3  }
0x19a: {  	v6 =	vor.u32 v10, v3;
	_ =	sdelay $0x1  }
0x19b: {  	v7 =	vor.u32 v8, v3;
	v8 =	vld [tilespmem:$0x1FC90]  }
0x19c: {  	[tilespmem:v4+s10+$0x0] =	vst.idx.msk $0xffff, v0;
	v4 =	vld [tilespmem:$0x1FCA0]  }
0x19d: {  	[tilespmem:v5+s10+$0x0] =	vst.idx.msk $0xffff, v0;
	v5 =	vld [tilespmem:$0x1FCB0]  }
0x19e: {  	[tilespmem:v6+s10+$0x0] =	vst.idx.msk $0xffff, v0;
	v6 =	vld [tilespmem:$0x1FCC0];
	_ =	sdelay $0x1  }
0x19f: {  	v8 =	vor.u32 v8, v3  }
0x1a0: {  	v4 =	vor.u32 v4, v3  }
0x1a1: {  	v5 =	vor.u32 v5, v3  }
0x1a2: {  	v6 =	vor.u32 v6, v3  }
0x1a3: {  	[tilespmem:v7+s10+$0x0] =	vst.idx.msk $0xffff, v0;
	v7 =	vld [tilespmem:$0x1FCD0]  }
0x1a4: {  	[tilespmem:v8+s10+$0x0] =	vst.idx.msk $0xffff, v0;
	v8 =	vld [tilespmem:$0x1FCE0]  }
0x1a5: {  	[tilespmem:v4+s10+$0x0] =	vst.idx.msk $0xffff, v0;
	v4 =	vld [tilespmem:$0x1FCF0]  }
0x1a6: {  	[tilespmem:v5+s10+$0x0] =	vst.idx.msk $0xffff, v0;
	v5 =	vld [tilespmem:$0x1FD00]  }
0x1a7: {  	[tilespmem:v6+s10+$0x0] =	vst.idx.msk $0xffff, v0;
	v6 =	vld [tilespmem:$0x1FD10]  }
0x1a8: {  	v7 =	vor.u32 v7, v3  }
0x1a9: {  	v8 =	vor.u32 v8, v3  }
0x1aa: {  	v4 =	vor.u32 v4, v3  }
0x1ab: {  	v5 =	vor.u32 v5, v3  }
0x1ac: {  	v29 =	vld [tilespmem:$0x1FD70];
	v26 =	vmov v6;
	v6 =	vor.u32 v6, v3  }
0x1ad: {  	[tilespmem:v7+s10+$0x0] =	vst.idx.msk $0xffff, v0;
	v7 =	vld [tilespmem:$0x1FD20]  }
0x1ae: {  	[tilespmem:v8+s10+$0x0] =	vst.idx.msk $0xffff, v0;
	v8 =	vld [tilespmem:$0x1FD30]  }
0x1af: {  	[tilespmem:v4+s10+$0x0] =	vst.idx.msk $0xffff, v0;
	v4 =	vld [tilespmem:$0x1FD40]  }
0x1b0: {  	[tilespmem:v5+s10+$0x0] =	vst.idx.msk $0xffff, v0;
	v5 =	vld [tilespmem:$0x1FD50]  }
0x1b1: {  	[tilespmem:v6+s10+$0x0] =	vst.idx.msk $0xffff, v0;
	v6 =	vld [tilespmem:$0x1FD60]  }
0x1b2: {  	v30 =	vld [tilespmem:$0x1FD80];
	v25 =	vmov v7;
	v7 =	vor.u32 v7, v3  }
0x1b3: {  	v31 =	vld [tilespmem:$0x1FD90];
	v27 =	vmov v8;
	v8 =	vor.u32 v8, v3  }
0x1b4: {  	v32 =	vld [tilespmem:$0x1FDA0];
	v24 =	vmov v4;
	v4 =	vor.u32 v4, v3  }
0x1b5: {  	v33 =	vld [tilespmem:$0x1FDB0];
	v28 =	vmov v5;
	v5 =	vor.u32 v5, v3  }
0x1b6: {  	v34 =	vld [tilespmem:$0x1FDC0];
	v23 =	vmov v6;
	v6 =	vor.u32 v6, v3  }
0x1b7: {  	v35 =	vld [tilespmem:$0x1FDD0];
	[tilespmem:v7+s10+$0x0] =	vst.idx.msk $0xffff, v0;
	v7 =	vor.u32 v29, v3  }
0x1b8: {  	v36 =	vld [tilespmem:$0x1FDE0];
	[tilespmem:v8+s10+$0x0] =	vst.idx.msk $0xffff, v0;
	v8 =	vor.u32 v30, v3  }
0x1b9: {  	v37 =	vld [tilespmem:$0x1FDF0];
	[tilespmem:v4+s10+$0x0] =	vst.idx.msk $0xffff, v0;
	v4 =	vor.u32 v31, v3  }
0x1ba: {  	v38 =	vld [tilespmem:$0x1FE00];
	[tilespmem:v5+s10+$0x0] =	vst.idx.msk $0xffff, v0;
	v5 =	vor.u32 v32, v3  }
0x1bb: {  	v39 =	vld [tilespmem:$0x1FE10];
	[tilespmem:v6+s10+$0x0] =	vst.idx.msk $0xffff, v0;
	v6 =	vor.u32 v33, v3  }
0x1bc: {  	v40 =	vld [tilespmem:$0x1FE20];
	[tilespmem:v7+s10+$0x0] =	vst.idx.msk $0xffff, v0;
	v7 =	vor.u32 v34, v3  }
0x1bd: {  	v41 =	vld [tilespmem:$0x1FC10];
	[tilespmem:v8+s10+$0x0] =	vst.idx.msk $0xffff, v0;
	v8 =	vor.u32 v35, v3  }
0x1be: {  	v42 =	vld [tilespmem:$0x1FE30];
	[tilespmem:v4+s10+$0x0] =	vst.idx.msk $0xffff, v0;
	v4 =	vor.u32 v36, v3  }
0x1bf: {  	v43 =	vld [tilespmem:$0x1FE40];
	[tilespmem:v5+s10+$0x0] =	vst.idx.msk $0xffff, v0;
	v5 =	vor.u32 v37, v3  }
0x1c0: {  	v44 =	vld [tilespmem:$0x1FE50];
	[tilespmem:v6+s10+$0x0] =	vst.idx.msk $0xffff, v0;
	v6 =	vor.u32 v38, v3  }
0x1c1: {  	v45 =	vld [tilespmem:$0x1FE60];
	[tilespmem:v7+s10+$0x0] =	vst.idx.msk $0xffff, v0;
	v7 =	vor.u32 v39, v3  }
0x1c2: {  	v46 =	vld [tilespmem:$0x1FE70];
	[tilespmem:v8+s10+$0x0] =	vst.idx.msk $0xffff, v0;
	v8 =	vor.u32 v40, v3  }
0x1c3: {  	v47 =	vld [tilespmem:$0x1FE80];
	[tilespmem:v4+s10+$0x0] =	vst.idx.msk $0xffff, v0;
	v4 =	vor.u32 v41, v3  }
0x1c4: {  	v50 =	vld [tilespmem:$0x1FEB0];
	[tilespmem:v5+s10+$0x0] =	vst.idx.msk $0xffff, v0;
	v5 =	vor.u32 v42, v3  }
0x1c5: {  	v53 =	vld [tilespmem:$0x1FEE0];
	[tilespmem:v6+s10+$0x0] =	vst.idx.msk $0xffff, v0;
	v6 =	vor.u32 v43, v3  }
0x1c6: {  	v48 =	vld [tilespmem:$0x1FE90];
	[tilespmem:v7+s10+$0x0] =	vst.idx.msk $0xffff, v0;
	v7 =	vor.u32 v44, v3  }
0x1c7: {  	v51 =	vld [tilespmem:$0x1FEC0];
	[tilespmem:v8+s10+$0x0] =	vst.idx.msk $0xffff, v0;
	v8 =	vor.u32 v45, v3  }
0x1c8: {  	v49 =	vld [tilespmem:$0x1FEA0];
	[tilespmem:v4+s10+$0x0] =	vst.idx.msk $0xffff, v0;
	v4 =	vor.u32 v46, v3  }
0x1c9: {  	v52 =	vld [tilespmem:$0x1FED0];
	[tilespmem:v5+s10+$0x0] =	vst.idx.msk $0xffff, v0;
	v5 =	vor.u32 v47, v3  }
0x1ca: {  	v54 =	vld [tilespmem:$0x1FEF0];
	[tilespmem:v6+s10+$0x0] =	vst.idx.msk $0xffff, v0;
	v6 =	vor.u32 v50, v3  }
0x1cb: {  	v56 =	vld [tilespmem:$0x1FF10];
	[tilespmem:v7+s10+$0x0] =	vst.idx.msk $0xffff, v0;
	v7 =	vor.u32 v53, v3  }
0x1cc: {  	v55 =	vld [tilespmem:$0x1FF00];
	[tilespmem:v8+s10+$0x0] =	vst.idx.msk $0xffff, v0;
	v8 =	vor.u32 v48, v3  }
0x1cd: {  	v58 =	vld [tilespmem:$0x1FF30];
	[tilespmem:v4+s10+$0x0] =	vst.idx.msk $0xffff, v0;
	v4 =	vor.u32 v51, v3  }
0x1ce: {  	v57 =	vld [tilespmem:$0x1FF20];
	[tilespmem:v5+s10+$0x0] =	vst.idx.msk $0xffff, v0;
	v5 =	vor.u32 v49, v3  }
0x1cf: {  	v59 =	vld [tilespmem:$0x1FF40];
	[tilespmem:v6+s10+$0x0] =	vst.idx.msk $0xffff, v0;
	v6 =	vor.u32 v52, v3  }
0x1d0: {  	v60 =	vld [tilespmem:$0x1FF50];
	[tilespmem:v7+s10+$0x0] =	vst.idx.msk $0xffff, v0;
	v7 =	vor.u32 v54, v3  }
0x1d1: {  	v62 =	vld [tilespmem:$0x1FF70];
	[tilespmem:v8+s10+$0x0] =	vst.idx.msk $0xffff, v0;
	v8 =	vor.u32 v56, v3  }
0x1d2: {  	v61 =	vld [tilespmem:$0x1FF60];
	[tilespmem:v4+s10+$0x0] =	vst.idx.msk $0xffff, v0;
	v4 =	vor.u32 v55, v3  }
0x1d3: {  	v12 =	vld [tilespmem:$0x1FF90];
	[tilespmem:v5+s10+$0x0] =	vst.idx.msk $0xffff, v0;
	v5 =	vor.u32 v58, v3  }
0x1d4: {  	v63 =	vld [tilespmem:$0x1FF80];
	[tilespmem:v6+s10+$0x0] =	vst.idx.msk $0xffff, v0;
	v6 =	vor.u32 v57, v3  }
0x1d5: {  	v13 =	vld [tilespmem:$0x1FFB0];
	[tilespmem:v7+s10+$0x0] =	vst.idx.msk $0xffff, v0;
	v7 =	vor.u32 v59, v3  }
0x1d6: {  	v14 =	vld [tilespmem:$0x1FFD0];
	[tilespmem:v8+s10+$0x0] =	vst.idx.msk $0xffff, v0;
	v8 =	vor.u32 v60, v3  }
0x1d7: {  	v16 =	vld [tilespmem:$0x1FC20];
	[tilespmem:v4+s10+$0x0] =	vst.idx.msk $0xffff, v0;
	v4 =	vor.u32 v62, v3  }
0x1d8: {  	v15 =	vld [tilespmem:$0x1FFE0];
	[tilespmem:v5+s10+$0x0] =	vst.idx.msk $0xffff, v0;
	v5 =	vor.u32 v61, v3  }
0x1d9: {  	v21 =	vld [tilespmem:$0x1FC80];
	[tilespmem:v6+s10+$0x0] =	vst.idx.msk $0xffff, v0;
	v6 =	vor.u32 v12, v3  }
0x1da: {  	v18 =	vld [tilespmem:$0x1FC30];
	[tilespmem:v7+s10+$0x0] =	vst.idx.msk $0xffff, v0;
	v7 =	vor.u32 v63, v3  }
0x1db: {  	v17 =	vld [tilespmem:$0x1FC40];
	[tilespmem:v8+s10+$0x0] =	vst.idx.msk $0xffff, v0;
	v8 =	vor.u32 v13, v3  }
0x1dc: {  	v19 =	vld [tilespmem:$0x1FC50];
	v2 =	vor.u32 v1, v2;
	v3 =	vor.u32 v14, v3;
	[tilespmem:v4+s10+$0x0] =	vst.idx.msk $0xffff, v0  }
0x1dd: {  	v20 =	vld [tilespmem:$0x1FC60];
	[tilespmem:v5+s10+$0x0] =	vst.idx.msk $0xffff, v0;
	v5 =	vor.u32 v16, v2  }
0x1de: {  	v22 =	vld [tilespmem:$0x1FC70];
	[tilespmem:v6+s10+$0x0] =	vst.idx.msk $0xffff, v0;
	v6 =	vor.u32 v15, v2  }
0x1df: {  	[tilespmem:v7+s10+$0x0] =	vst.idx.msk $0xffff, v0  }
0x1e0: {  	[tilespmem:v8+s10+$0x0] =	vst.idx.msk $0xffff, v0  }
0x1e1: {  	v1 =	vor.u32 v21, v2;
	v4 =	vor.u32 v18, v2;
	[tilespmem:v3+s10+$0x0] =	vst.idx.msk $0xffff, v0  }
0x1e2: {  	v3 =	vor.u32 v17, v2;
	[tilespmem:v5+s10+$0x0] =	vst.idx.msk $0xffff, v0;
	v5 =	vor.u32 v19, v2  }
0x1e3: {  	s18 =	sshll.u32 s15, $0x5;
	s19 =	simm.s32 $0x1;
	[tilespmem:v6+s10+$0x0] =	vst.idx.msk $0xffff, v0;
	v6 =	vor.u32 v20, v2;
	v2 =	vor.u32 v22, v2  }
.LBB2_7:
0x1e4: {  	_ =	sdelay $0x2  }
0x1e5: {  	s20 =	sadd.s32 s19, s16;
	[tilespmem:v4+s10+$0x0] =	vst.idx.msk $0xffff, v0  }
0x1e6: {  	s21 =	smov.u32 s19;
	v4 =	vmov s20;
	[tilespmem:v3+s10+$0x0] =	vst.idx.msk $0xffff, v0  }
0x1e7: {  	v3 =	vmov s21;
	[tilespmem:v5+s10+$0x0] =	vst.idx.msk $0xffff, v0  }
0x1e8: {  	v5 =	vshll.u32 v3, $0xA;
	v3 =	vshll.u32 v3, $0x7;
	[tilespmem:v6+s10+$0x0] =	vst.idx.msk $0xffff, v0  }
0x1e9: {  	v6 =	vand.u32 $0x380, v3;
	[tilespmem:v2+s10+$0x0] =	vst.idx.msk $0xffff, v0;
	v2 =	vand.u32 $0x2000, v5  }
0x1ea: {  	[tilespmem:v1+s10+$0x0] =	vst.idx.msk $0xffff, v0;
	v3 =	vor.u32 v6, v2  }
0x1eb: {  	v0 =	vld.idx.msk [tilespmem:v4+s3+$0x0], $0xffff;
	v4 =	vor.u32 v11, v3  }
0x1ec: {  	v2 =	vor.u32 v6, v5;
	v5 =	vor.u32 v9, v3;
	_ =	sdelay $0x1  }
0x1ed: {  	v7 =	vld [tilespmem:$0x1FFF0]  }
0x1ee: {  	v8 =	vld [tilespmem:$0x1FC90]  }
0x1ef: {  	[tilespmem:v4+s10+$0x0] =	vst.idx.msk $0xffff, v0;
	v4 =	vld [tilespmem:$0x1FCA0]  }
0x1f0: {  	[tilespmem:v5+s10+$0x0] =	vst.idx.msk $0xffff, v0;
	v5 =	vld [tilespmem:$0x1FCB0]  }
0x1f1: {  	v6 =	vor.u32 v10, v3  }
0x1f2: {  	v7 =	vor.u32 v7, v3  }
0x1f3: {  	v8 =	vor.u32 v8, v3  }
0x1f4: {  	v4 =	vor.u32 v4, v3  }
0x1f5: {  	v5 =	vor.u32 v5, v3  }
0x1f6: {  	[tilespmem:v6+s10+$0x0] =	vst.idx.msk $0xffff, v0;
	v6 =	vld [tilespmem:$0x1FCC0]  }
0x1f7: {  	[tilespmem:v7+s10+$0x0] =	vst.idx.msk $0xffff, v0;
	v7 =	vld [tilespmem:$0x1FCD0]  }
0x1f8: {  	[tilespmem:v8+s10+$0x0] =	vst.idx.msk $0xffff, v0;
	v8 =	vld [tilespmem:$0x1FCE0]  }
0x1f9: {  	[tilespmem:v4+s10+$0x0] =	vst.idx.msk $0xffff, v0;
	v4 =	vld [tilespmem:$0x1FCF0]  }
0x1fa: {  	[tilespmem:v5+s10+$0x0] =	vst.idx.msk $0xffff, v0;
	v5 =	vld [tilespmem:$0x1FD00]  }
0x1fb: {  	v6 =	vor.u32 v6, v3  }
0x1fc: {  	v7 =	vor.u32 v7, v3  }
0x1fd: {  	v8 =	vor.u32 v8, v3  }
0x1fe: {  	v4 =	vor.u32 v4, v3  }
0x1ff: {  	v5 =	vor.u32 v5, v3  }
0x200: {  	[tilespmem:v6+s10+$0x0] =	vst.idx.msk $0xffff, v0;
	v6 =	vor.u32 v26, v3  }
0x201: {  	[tilespmem:v7+s10+$0x0] =	vst.idx.msk $0xffff, v0;
	v7 =	vor.u32 v25, v3  }
0x202: {  	[tilespmem:v8+s10+$0x0] =	vst.idx.msk $0xffff, v0;
	v8 =	vor.u32 v27, v3  }
0x203: {  	[tilespmem:v4+s10+$0x0] =	vst.idx.msk $0xffff, v0;
	v4 =	vor.u32 v24, v3  }
0x204: {  	[tilespmem:v5+s10+$0x0] =	vst.idx.msk $0xffff, v0;
	v5 =	vor.u32 v28, v3  }
0x205: {  	[tilespmem:v6+s10+$0x0] =	vst.idx.msk $0xffff, v0;
	v6 =	vor.u32 v23, v3  }
0x206: {  	[tilespmem:v7+s10+$0x0] =	vst.idx.msk $0xffff, v0;
	v7 =	vor.u32 v29, v3  }
0x207: {  	[tilespmem:v8+s10+$0x0] =	vst.idx.msk $0xffff, v0;
	v8 =	vor.u32 v30, v3  }
0x208: {  	[tilespmem:v4+s10+$0x0] =	vst.idx.msk $0xffff, v0;
	v4 =	vor.u32 v31, v3  }
0x209: {  	[tilespmem:v5+s10+$0x0] =	vst.idx.msk $0xffff, v0;
	v5 =	vor.u32 v32, v3  }
0x20a: {  	[tilespmem:v6+s10+$0x0] =	vst.idx.msk $0xffff, v0;
	v6 =	vor.u32 v33, v3  }
0x20b: {  	[tilespmem:v7+s10+$0x0] =	vst.idx.msk $0xffff, v0;
	v7 =	vor.u32 v34, v3  }
0x20c: {  	[tilespmem:v8+s10+$0x0] =	vst.idx.msk $0xffff, v0;
	v8 =	vor.u32 v35, v3  }
0x20d: {  	[tilespmem:v4+s10+$0x0] =	vst.idx.msk $0xffff, v0;
	v4 =	vor.u32 v36, v3  }
0x20e: {  	[tilespmem:v5+s10+$0x0] =	vst.idx.msk $0xffff, v0;
	v5 =	vor.u32 v37, v3  }
0x20f: {  	[tilespmem:v6+s10+$0x0] =	vst.idx.msk $0xffff, v0;
	v6 =	vor.u32 v38, v3  }
0x210: {  	[tilespmem:v7+s10+$0x0] =	vst.idx.msk $0xffff, v0;
	v7 =	vor.u32 v39, v3  }
0x211: {  	[tilespmem:v8+s10+$0x0] =	vst.idx.msk $0xffff, v0;
	v8 =	vor.u32 v40, v3  }
0x212: {  	[tilespmem:v4+s10+$0x0] =	vst.idx.msk $0xffff, v0;
	v4 =	vor.u32 v41, v3  }
0x213: {  	[tilespmem:v5+s10+$0x0] =	vst.idx.msk $0xffff, v0;
	v5 =	vor.u32 v42, v3  }
0x214: {  	[tilespmem:v6+s10+$0x0] =	vst.idx.msk $0xffff, v0;
	v6 =	vor.u32 v43, v3  }
0x215: {  	[tilespmem:v7+s10+$0x0] =	vst.idx.msk $0xffff, v0;
	v7 =	vor.u32 v44, v3  }
0x216: {  	[tilespmem:v8+s10+$0x0] =	vst.idx.msk $0xffff, v0;
	v8 =	vor.u32 v45, v3  }
0x217: {  	[tilespmem:v4+s10+$0x0] =	vst.idx.msk $0xffff, v0;
	v4 =	vor.u32 v46, v3  }
0x218: {  	[tilespmem:v5+s10+$0x0] =	vst.idx.msk $0xffff, v0;
	v5 =	vor.u32 v47, v3  }
0x219: {  	[tilespmem:v6+s10+$0x0] =	vst.idx.msk $0xffff, v0;
	v6 =	vor.u32 v50, v3  }
0x21a: {  	[tilespmem:v7+s10+$0x0] =	vst.idx.msk $0xffff, v0;
	v7 =	vor.u32 v53, v3  }
0x21b: {  	[tilespmem:v8+s10+$0x0] =	vst.idx.msk $0xffff, v0;
	v8 =	vor.u32 v48, v3  }
0x21c: {  	[tilespmem:v4+s10+$0x0] =	vst.idx.msk $0xffff, v0;
	v4 =	vor.u32 v51, v3  }
0x21d: {  	[tilespmem:v5+s10+$0x0] =	vst.idx.msk $0xffff, v0;
	v5 =	vor.u32 v49, v3  }
0x21e: {  	[tilespmem:v6+s10+$0x0] =	vst.idx.msk $0xffff, v0;
	v6 =	vor.u32 v52, v3  }
0x21f: {  	[tilespmem:v7+s10+$0x0] =	vst.idx.msk $0xffff, v0;
	v7 =	vor.u32 v54, v3  }
0x220: {  	[tilespmem:v8+s10+$0x0] =	vst.idx.msk $0xffff, v0;
	v8 =	vor.u32 v56, v3  }
0x221: {  	[tilespmem:v4+s10+$0x0] =	vst.idx.msk $0xffff, v0;
	v4 =	vor.u32 v55, v3  }
0x222: {  	[tilespmem:v5+s10+$0x0] =	vst.idx.msk $0xffff, v0;
	v5 =	vor.u32 v58, v3  }
0x223: {  	[tilespmem:v6+s10+$0x0] =	vst.idx.msk $0xffff, v0;
	v6 =	vor.u32 v57, v3  }
0x224: {  	[tilespmem:v7+s10+$0x0] =	vst.idx.msk $0xffff, v0;
	v7 =	vor.u32 v59, v3  }
0x225: {  	[tilespmem:v8+s10+$0x0] =	vst.idx.msk $0xffff, v0;
	v8 =	vor.u32 v60, v3  }
0x226: {  	[tilespmem:v4+s10+$0x0] =	vst.idx.msk $0xffff, v0;
	v4 =	vor.u32 v62, v3  }
0x227: {  	[tilespmem:v5+s10+$0x0] =	vst.idx.msk $0xffff, v0;
	v5 =	vor.u32 v61, v3  }
0x228: {  	[tilespmem:v6+s10+$0x0] =	vst.idx.msk $0xffff, v0;
	v6 =	vor.u32 v12, v3  }
0x229: {  	[tilespmem:v7+s10+$0x0] =	vst.idx.msk $0xffff, v0;
	v7 =	vor.u32 v63, v3  }
0x22a: {  	[tilespmem:v8+s10+$0x0] =	vst.idx.msk $0xffff, v0;
	v8 =	vor.u32 v13, v3  }
0x22b: {  	v9 =	vor.u32 v14, v3;
	[tilespmem:v4+s10+$0x0] =	vst.idx.msk $0xffff, v0  }
0x22c: {  	v10 =	vor.u32 v16, v2;
	[tilespmem:v5+s10+$0x0] =	vst.idx.msk $0xffff, v0  }
0x22d: {  	p0 =	sne.s32 s19, $0xF;
	v11 =	vor.u32 v15, v2;
	[tilespmem:v6+s10+$0x0] =	vst.idx.msk $0xffff, v0  }
.Ltmp2:
0x22e: {  	[tilespmem:v7+s10+$0x0] =	vst.idx.msk $0xffff, v0;
	(pc) =	sbr.rel @p0 .LBB2_7-.Ltmp2, $4  }
0x22f: {  	[tilespmem:v8+s10+$0x0] =	vst.idx.msk $0xffff, v0  }
0x230: {  	v1 =	vor.u32 v21, v2;
	v3 =	vor.u32 v17, v2;
	[tilespmem:v9+s10+$0x0] =	vst.idx.msk $0xffff, v0  }
0x231: {  	v4 =	vor.u32 v18, v2;
	v5 =	vor.u32 v19, v2;
	v9 =	vld [tilespmem:$0x1FFA0];
	[tilespmem:v10+s10+$0x0] =	vst.idx.msk $0xffff, v0  }
0x232: {  	s19 =	sadd.s32 $0x1, s19;
	v6 =	vor.u32 v20, v2;
	v2 =	vor.u32 v22, v2;
	v10 =	vld [tilespmem:$0x1FFC0];
	[tilespmem:v11+s10+$0x0] =	vst.idx.msk $0xffff, v0;
	v11 =	vlaneseq.u32  }
0x233: {  	_ =	sdelay $0x3  }
0x234: {  	[tilespmem:v4+s10+$0x0] =	vst.idx.msk $0xffff, v0  }
0x235: {  	[tilespmem:v3+s10+$0x0] =	vst.idx.msk $0xffff, v0  }
0x236: {  	[tilespmem:v5+s10+$0x0] =	vst.idx.msk $0xffff, v0  }
0x237: {  	s19 =	sadd.s32 s4, s18;
	[tilespmem:v6+s10+$0x0] =	vst.idx.msk $0xffff, v0  }
0x238: {  	s20 =	sadd.s32 $0x0, s17;
	s19 =	sshll.u32 s19, $0x7;
	[tilespmem:v2+s10+$0x0] =	vst.idx.msk $0xffff, v0  }
0x239: {  	s21 =	simm.s32 $0x0;
	s19 =	sadd.s32 s2, s19;
	[tilespmem:v1+s10+$0x0] =	vst.idx.msk $0xffff, v0;
	v0 =	vmov s20  }
0x23a: {  	v1 =	vmov s21;
	[hbm4b:s19+s21] =	stream.linear.scatter [tilespmem:s10], [sflag:$0x1], $0x4000, $0x38;
	[tilespmem:$0x8C80] =	vst v63  }
0x23b: {  	v2 =	vshll.u32 v1, $0xA;
	v1 =	vshll.u32 v1, $0x7;
	_ =	swait.ge [sflag:s13], $0x4000  }
0x23c: {  	v3 =	vand.u32 $0x2000, v2;
	v1 =	vand.u32 $0x380, v1;
	[sflag:s13] =	ssyncset.done $0x0  }
0x23d: {  	v3 =	vor.u32 v1, v3;
	[sflag:s13] =	ssyncadd.s32 $0xFFFFC000  }
0x23e: {  	v4 =	vor.u32 v11, v3;
	v0 =	vld.idx.msk [tilespmem:v0+s3+$0x0], $0xffff  }
0x23f: {  	v5 =	vor.u32 v9, v3;
	_ =	sdelay $0x1  }
0x240: {  	v7 =	vld [tilespmem:$0x1FFF0]  }
0x241: {  	v8 =	vld [tilespmem:$0x1FC90]  }
0x242: {  	[tilespmem:v4+s11+$0x0] =	vst.idx.msk $0xffff, v0;
	v4 =	vld [tilespmem:$0x1FCA0]  }
0x243: {  	[tilespmem:v5+s11+$0x0] =	vst.idx.msk $0xffff, v0;
	v5 =	vld [tilespmem:$0x1FCB0]  }
0x244: {  	v6 =	vor.u32 v10, v3  }
0x245: {  	v7 =	vor.u32 v7, v3  }
0x246: {  	v8 =	vor.u32 v8, v3  }
0x247: {  	v4 =	vor.u32 v4, v3  }
0x248: {  	v5 =	vor.u32 v5, v3  }
0x249: {  	[tilespmem:v6+s11+$0x0] =	vst.idx.msk $0xffff, v0;
	v6 =	vld [tilespmem:$0x1FCC0]  }
0x24a: {  	[tilespmem:v7+s11+$0x0] =	vst.idx.msk $0xffff, v0;
	v7 =	vld [tilespmem:$0x1FCD0]  }
0x24b: {  	[tilespmem:v8+s11+$0x0] =	vst.idx.msk $0xffff, v0;
	v8 =	vld [tilespmem:$0x1FCE0]  }
0x24c: {  	[tilespmem:v4+s11+$0x0] =	vst.idx.msk $0xffff, v0;
	v4 =	vld [tilespmem:$0x1FCF0]  }
0x24d: {  	[tilespmem:v5+s11+$0x0] =	vst.idx.msk $0xffff, v0;
	v5 =	vld [tilespmem:$0x1FD00]  }
0x24e: {  	v6 =	vor.u32 v6, v3  }
0x24f: {  	v7 =	vor.u32 v7, v3  }
0x250: {  	v8 =	vor.u32 v8, v3  }
0x251: {  	v4 =	vor.u32 v4, v3  }
0x252: {  	v5 =	vor.u32 v5, v3  }
0x253: {  	[tilespmem:v6+s11+$0x0] =	vst.idx.msk $0xffff, v0;
	v6 =	vor.u32 v26, v3  }
0x254: {  	[tilespmem:v7+s11+$0x0] =	vst.idx.msk $0xffff, v0;
	v7 =	vor.u32 v25, v3  }
0x255: {  	[tilespmem:v8+s11+$0x0] =	vst.idx.msk $0xffff, v0;
	v8 =	vor.u32 v27, v3  }
0x256: {  	[tilespmem:v4+s11+$0x0] =	vst.idx.msk $0xffff, v0;
	v4 =	vor.u32 v24, v3  }
0x257: {  	[tilespmem:v5+s11+$0x0] =	vst.idx.msk $0xffff, v0;
	v5 =	vor.u32 v28, v3  }
0x258: {  	[tilespmem:v6+s11+$0x0] =	vst.idx.msk $0xffff, v0;
	v6 =	vor.u32 v23, v3  }
0x259: {  	[tilespmem:v7+s11+$0x0] =	vst.idx.msk $0xffff, v0;
	v7 =	vor.u32 v29, v3  }
0x25a: {  	[tilespmem:v8+s11+$0x0] =	vst.idx.msk $0xffff, v0;
	v8 =	vor.u32 v30, v3  }
0x25b: {  	[tilespmem:v4+s11+$0x0] =	vst.idx.msk $0xffff, v0;
	v4 =	vor.u32 v31, v3  }
0x25c: {  	[tilespmem:v5+s11+$0x0] =	vst.idx.msk $0xffff, v0;
	v5 =	vor.u32 v32, v3  }
0x25d: {  	[tilespmem:v6+s11+$0x0] =	vst.idx.msk $0xffff, v0;
	v6 =	vor.u32 v33, v3  }
0x25e: {  	[tilespmem:v7+s11+$0x0] =	vst.idx.msk $0xffff, v0;
	v7 =	vor.u32 v34, v3  }
0x25f: {  	[tilespmem:v8+s11+$0x0] =	vst.idx.msk $0xffff, v0;
	v8 =	vor.u32 v35, v3  }
0x260: {  	[tilespmem:v4+s11+$0x0] =	vst.idx.msk $0xffff, v0;
	v4 =	vor.u32 v36, v3  }
0x261: {  	[tilespmem:v5+s11+$0x0] =	vst.idx.msk $0xffff, v0;
	v5 =	vor.u32 v37, v3  }
0x262: {  	[tilespmem:v6+s11+$0x0] =	vst.idx.msk $0xffff, v0;
	v6 =	vor.u32 v38, v3  }
0x263: {  	[tilespmem:v7+s11+$0x0] =	vst.idx.msk $0xffff, v0;
	v7 =	vor.u32 v39, v3  }
0x264: {  	[tilespmem:v8+s11+$0x0] =	vst.idx.msk $0xffff, v0;
	v8 =	vor.u32 v40, v3  }
0x265: {  	[tilespmem:v4+s11+$0x0] =	vst.idx.msk $0xffff, v0;
	v4 =	vor.u32 v41, v3  }
0x266: {  	[tilespmem:v5+s11+$0x0] =	vst.idx.msk $0xffff, v0;
	v5 =	vor.u32 v42, v3  }
0x267: {  	[tilespmem:v6+s11+$0x0] =	vst.idx.msk $0xffff, v0;
	v6 =	vor.u32 v43, v3  }
0x268: {  	[tilespmem:v7+s11+$0x0] =	vst.idx.msk $0xffff, v0;
	v7 =	vor.u32 v44, v3  }
0x269: {  	[tilespmem:v8+s11+$0x0] =	vst.idx.msk $0xffff, v0;
	v8 =	vor.u32 v45, v3  }
0x26a: {  	[tilespmem:v4+s11+$0x0] =	vst.idx.msk $0xffff, v0;
	v4 =	vor.u32 v46, v3  }
0x26b: {  	[tilespmem:v5+s11+$0x0] =	vst.idx.msk $0xffff, v0;
	v5 =	vor.u32 v47, v3  }
0x26c: {  	[tilespmem:v6+s11+$0x0] =	vst.idx.msk $0xffff, v0;
	v6 =	vor.u32 v50, v3  }
0x26d: {  	[tilespmem:v7+s11+$0x0] =	vst.idx.msk $0xffff, v0;
	v7 =	vor.u32 v53, v3  }
0x26e: {  	[tilespmem:v8+s11+$0x0] =	vst.idx.msk $0xffff, v0;
	v8 =	vor.u32 v48, v3  }
0x26f: {  	[tilespmem:v4+s11+$0x0] =	vst.idx.msk $0xffff, v0;
	v4 =	vor.u32 v51, v3  }
0x270: {  	[tilespmem:v5+s11+$0x0] =	vst.idx.msk $0xffff, v0;
	v5 =	vor.u32 v49, v3  }
0x271: {  	[tilespmem:v6+s11+$0x0] =	vst.idx.msk $0xffff, v0;
	v6 =	vor.u32 v52, v3  }
0x272: {  	[tilespmem:v7+s11+$0x0] =	vst.idx.msk $0xffff, v0;
	v7 =	vor.u32 v54, v3  }
0x273: {  	[tilespmem:v8+s11+$0x0] =	vst.idx.msk $0xffff, v0;
	v8 =	vor.u32 v56, v3  }
0x274: {  	[tilespmem:v4+s11+$0x0] =	vst.idx.msk $0xffff, v0;
	v4 =	vor.u32 v55, v3  }
0x275: {  	[tilespmem:v5+s11+$0x0] =	vst.idx.msk $0xffff, v0;
	v5 =	vor.u32 v58, v3  }
0x276: {  	[tilespmem:v6+s11+$0x0] =	vst.idx.msk $0xffff, v0;
	v6 =	vor.u32 v57, v3  }
0x277: {  	[tilespmem:v7+s11+$0x0] =	vst.idx.msk $0xffff, v0;
	v7 =	vor.u32 v59, v3  }
0x278: {  	[tilespmem:v8+s11+$0x0] =	vst.idx.msk $0xffff, v0;
	v8 =	vor.u32 v60, v3  }
0x279: {  	[tilespmem:v4+s11+$0x0] =	vst.idx.msk $0xffff, v0;
	v4 =	vor.u32 v62, v3  }
0x27a: {  	[tilespmem:v5+s11+$0x0] =	vst.idx.msk $0xffff, v0;
	v5 =	vor.u32 v61, v3  }
0x27b: {  	[tilespmem:v6+s11+$0x0] =	vst.idx.msk $0xffff, v0;
	v6 =	vor.u32 v12, v3  }
0x27c: {  	[tilespmem:v7+s11+$0x0] =	vst.idx.msk $0xffff, v0;
	v7 =	vor.u32 v63, v3  }
0x27d: {  	[tilespmem:v8+s11+$0x0] =	vst.idx.msk $0xffff, v0;
	v8 =	vor.u32 v13, v3  }
0x27e: {  	v2 =	vor.u32 v1, v2;
	v3 =	vor.u32 v14, v3;
	[tilespmem:v4+s11+$0x0] =	vst.idx.msk $0xffff, v0  }
0x27f: {  	[tilespmem:v5+s11+$0x0] =	vst.idx.msk $0xffff, v0;
	v5 =	vor.u32 v16, v2  }
0x280: {  	[tilespmem:v6+s11+$0x0] =	vst.idx.msk $0xffff, v0;
	v6 =	vor.u32 v15, v2  }
0x281: {  	[tilespmem:v7+s11+$0x0] =	vst.idx.msk $0xffff, v0  }
0x282: {  	[tilespmem:v8+s11+$0x0] =	vst.idx.msk $0xffff, v0  }
0x283: {  	v1 =	vor.u32 v21, v2;
	v4 =	vor.u32 v18, v2;
	[tilespmem:v3+s11+$0x0] =	vst.idx.msk $0xffff, v0  }
0x284: {  	v3 =	vor.u32 v17, v2;
	[tilespmem:v5+s11+$0x0] =	vst.idx.msk $0xffff, v0;
	v5 =	vor.u32 v19, v2  }
0x285: {  	s18 =	sor.u32 $0x10, s18;
	s19 =	simm.s32 $0x1;
	[tilespmem:v6+s11+$0x0] =	vst.idx.msk $0xffff, v0;
	v6 =	vor.u32 v20, v2;
	v2 =	vor.u32 v22, v2  }
.LBB2_9:
0x286: {  	_ =	sdelay $0x2  }
0x287: {  	s20 =	sadd.s32 s19, s17;
	[tilespmem:v4+s11+$0x0] =	vst.idx.msk $0xffff, v0  }
0x288: {  	s21 =	smov.u32 s19;
	v4 =	vmov s20;
	[tilespmem:v3+s11+$0x0] =	vst.idx.msk $0xffff, v0  }
0x289: {  	v3 =	vmov s21;
	[tilespmem:v5+s11+$0x0] =	vst.idx.msk $0xffff, v0  }
0x28a: {  	v5 =	vshll.u32 v3, $0xA;
	v3 =	vshll.u32 v3, $0x7;
	[tilespmem:v6+s11+$0x0] =	vst.idx.msk $0xffff, v0  }
0x28b: {  	v6 =	vand.u32 $0x380, v3;
	[tilespmem:v2+s11+$0x0] =	vst.idx.msk $0xffff, v0;
	v2 =	vand.u32 $0x2000, v5  }
0x28c: {  	[tilespmem:v1+s11+$0x0] =	vst.idx.msk $0xffff, v0;
	v3 =	vor.u32 v6, v2  }
0x28d: {  	v0 =	vld.idx.msk [tilespmem:v4+s3+$0x0], $0xffff;
	v4 =	vor.u32 v11, v3  }
0x28e: {  	v2 =	vor.u32 v6, v5;
	v5 =	vor.u32 v9, v3;
	_ =	sdelay $0x1  }
0x28f: {  	v7 =	vld [tilespmem:$0x1FFF0]  }
0x290: {  	v8 =	vld [tilespmem:$0x1FC90]  }
0x291: {  	[tilespmem:v4+s11+$0x0] =	vst.idx.msk $0xffff, v0;
	v4 =	vld [tilespmem:$0x1FCA0]  }
0x292: {  	[tilespmem:v5+s11+$0x0] =	vst.idx.msk $0xffff, v0;
	v5 =	vld [tilespmem:$0x1FCB0]  }
0x293: {  	v6 =	vor.u32 v10, v3  }
0x294: {  	v7 =	vor.u32 v7, v3  }
0x295: {  	v8 =	vor.u32 v8, v3  }
0x296: {  	v4 =	vor.u32 v4, v3  }
0x297: {  	v5 =	vor.u32 v5, v3  }
0x298: {  	[tilespmem:v6+s11+$0x0] =	vst.idx.msk $0xffff, v0;
	v6 =	vld [tilespmem:$0x1FCC0]  }
0x299: {  	[tilespmem:v7+s11+$0x0] =	vst.idx.msk $0xffff, v0;
	v7 =	vld [tilespmem:$0x1FCD0]  }
0x29a: {  	[tilespmem:v8+s11+$0x0] =	vst.idx.msk $0xffff, v0;
	v8 =	vld [tilespmem:$0x1FCE0]  }
0x29b: {  	[tilespmem:v4+s11+$0x0] =	vst.idx.msk $0xffff, v0;
	v4 =	vld [tilespmem:$0x1FCF0]  }
0x29c: {  	[tilespmem:v5+s11+$0x0] =	vst.idx.msk $0xffff, v0;
	v5 =	vld [tilespmem:$0x1FD00]  }
0x29d: {  	v6 =	vor.u32 v6, v3  }
0x29e: {  	v7 =	vor.u32 v7, v3  }
0x29f: {  	v8 =	vor.u32 v8, v3  }
0x2a0: {  	v4 =	vor.u32 v4, v3  }
0x2a1: {  	v5 =	vor.u32 v5, v3  }
0x2a2: {  	[tilespmem:v6+s11+$0x0] =	vst.idx.msk $0xffff, v0;
	v6 =	vor.u32 v26, v3  }
0x2a3: {  	[tilespmem:v7+s11+$0x0] =	vst.idx.msk $0xffff, v0;
	v7 =	vor.u32 v25, v3  }
0x2a4: {  	[tilespmem:v8+s11+$0x0] =	vst.idx.msk $0xffff, v0;
	v8 =	vor.u32 v27, v3  }
0x2a5: {  	[tilespmem:v4+s11+$0x0] =	vst.idx.msk $0xffff, v0;
	v4 =	vor.u32 v24, v3  }
0x2a6: {  	[tilespmem:v5+s11+$0x0] =	vst.idx.msk $0xffff, v0;
	v5 =	vor.u32 v28, v3  }
0x2a7: {  	[tilespmem:v6+s11+$0x0] =	vst.idx.msk $0xffff, v0;
	v6 =	vor.u32 v23, v3  }
0x2a8: {  	[tilespmem:v7+s11+$0x0] =	vst.idx.msk $0xffff, v0;
	v7 =	vor.u32 v29, v3  }
0x2a9: {  	[tilespmem:v8+s11+$0x0] =	vst.idx.msk $0xffff, v0;
	v8 =	vor.u32 v30, v3  }
0x2aa: {  	[tilespmem:v4+s11+$0x0] =	vst.idx.msk $0xffff, v0;
	v4 =	vor.u32 v31, v3  }
0x2ab: {  	[tilespmem:v5+s11+$0x0] =	vst.idx.msk $0xffff, v0;
	v5 =	vor.u32 v32, v3  }
0x2ac: {  	[tilespmem:v6+s11+$0x0] =	vst.idx.msk $0xffff, v0;
	v6 =	vor.u32 v33, v3  }
0x2ad: {  	[tilespmem:v7+s11+$0x0] =	vst.idx.msk $0xffff, v0;
	v7 =	vor.u32 v34, v3  }
0x2ae: {  	[tilespmem:v8+s11+$0x0] =	vst.idx.msk $0xffff, v0;
	v8 =	vor.u32 v35, v3  }
0x2af: {  	[tilespmem:v4+s11+$0x0] =	vst.idx.msk $0xffff, v0;
	v4 =	vor.u32 v36, v3  }
0x2b0: {  	[tilespmem:v5+s11+$0x0] =	vst.idx.msk $0xffff, v0;
	v5 =	vor.u32 v37, v3  }
0x2b1: {  	[tilespmem:v6+s11+$0x0] =	vst.idx.msk $0xffff, v0;
	v6 =	vor.u32 v38, v3  }
0x2b2: {  	[tilespmem:v7+s11+$0x0] =	vst.idx.msk $0xffff, v0;
	v7 =	vor.u32 v39, v3  }
0x2b3: {  	[tilespmem:v8+s11+$0x0] =	vst.idx.msk $0xffff, v0;
	v8 =	vor.u32 v40, v3  }
0x2b4: {  	[tilespmem:v4+s11+$0x0] =	vst.idx.msk $0xffff, v0;
	v4 =	vor.u32 v41, v3  }
0x2b5: {  	[tilespmem:v5+s11+$0x0] =	vst.idx.msk $0xffff, v0;
	v5 =	vor.u32 v42, v3  }
0x2b6: {  	[tilespmem:v6+s11+$0x0] =	vst.idx.msk $0xffff, v0;
	v6 =	vor.u32 v43, v3  }
0x2b7: {  	[tilespmem:v7+s11+$0x0] =	vst.idx.msk $0xffff, v0;
	v7 =	vor.u32 v44, v3  }
0x2b8: {  	[tilespmem:v8+s11+$0x0] =	vst.idx.msk $0xffff, v0;
	v8 =	vor.u32 v45, v3  }
0x2b9: {  	[tilespmem:v4+s11+$0x0] =	vst.idx.msk $0xffff, v0;
	v4 =	vor.u32 v46, v3  }
0x2ba: {  	[tilespmem:v5+s11+$0x0] =	vst.idx.msk $0xffff, v0;
	v5 =	vor.u32 v47, v3  }
0x2bb: {  	[tilespmem:v6+s11+$0x0] =	vst.idx.msk $0xffff, v0;
	v6 =	vor.u32 v50, v3  }
0x2bc: {  	[tilespmem:v7+s11+$0x0] =	vst.idx.msk $0xffff, v0;
	v7 =	vor.u32 v53, v3  }
0x2bd: {  	[tilespmem:v8+s11+$0x0] =	vst.idx.msk $0xffff, v0;
	v8 =	vor.u32 v48, v3  }
0x2be: {  	[tilespmem:v4+s11+$0x0] =	vst.idx.msk $0xffff, v0;
	v4 =	vor.u32 v51, v3  }
0x2bf: {  	[tilespmem:v5+s11+$0x0] =	vst.idx.msk $0xffff, v0;
	v5 =	vor.u32 v49, v3  }
0x2c0: {  	[tilespmem:v6+s11+$0x0] =	vst.idx.msk $0xffff, v0;
	v6 =	vor.u32 v52, v3  }
0x2c1: {  	[tilespmem:v7+s11+$0x0] =	vst.idx.msk $0xffff, v0;
	v7 =	vor.u32 v54, v3  }
0x2c2: {  	[tilespmem:v8+s11+$0x0] =	vst.idx.msk $0xffff, v0;
	v8 =	vor.u32 v56, v3  }
0x2c3: {  	[tilespmem:v4+s11+$0x0] =	vst.idx.msk $0xffff, v0;
	v4 =	vor.u32 v55, v3  }
0x2c4: {  	[tilespmem:v5+s11+$0x0] =	vst.idx.msk $0xffff, v0;
	v5 =	vor.u32 v58, v3  }
0x2c5: {  	[tilespmem:v6+s11+$0x0] =	vst.idx.msk $0xffff, v0;
	v6 =	vor.u32 v57, v3  }
0x2c6: {  	[tilespmem:v7+s11+$0x0] =	vst.idx.msk $0xffff, v0;
	v7 =	vor.u32 v59, v3  }
0x2c7: {  	[tilespmem:v8+s11+$0x0] =	vst.idx.msk $0xffff, v0;
	v8 =	vor.u32 v60, v3  }
0x2c8: {  	[tilespmem:v4+s11+$0x0] =	vst.idx.msk $0xffff, v0;
	v4 =	vor.u32 v62, v3  }
0x2c9: {  	[tilespmem:v5+s11+$0x0] =	vst.idx.msk $0xffff, v0;
	v5 =	vor.u32 v61, v3  }
0x2ca: {  	[tilespmem:v6+s11+$0x0] =	vst.idx.msk $0xffff, v0;
	v6 =	vor.u32 v12, v3  }
0x2cb: {  	[tilespmem:v7+s11+$0x0] =	vst.idx.msk $0xffff, v0;
	v7 =	vor.u32 v63, v3  }
0x2cc: {  	[tilespmem:v8+s11+$0x0] =	vst.idx.msk $0xffff, v0;
	v8 =	vor.u32 v13, v3  }
0x2cd: {  	v9 =	vor.u32 v14, v3;
	[tilespmem:v4+s11+$0x0] =	vst.idx.msk $0xffff, v0  }
0x2ce: {  	v10 =	vor.u32 v16, v2;
	[tilespmem:v5+s11+$0x0] =	vst.idx.msk $0xffff, v0  }
0x2cf: {  	p0 =	sne.s32 s19, $0xF;
	v11 =	vor.u32 v15, v2;
	[tilespmem:v6+s11+$0x0] =	vst.idx.msk $0xffff, v0  }
.Ltmp3:
0x2d0: {  	[tilespmem:v7+s11+$0x0] =	vst.idx.msk $0xffff, v0;
	(pc) =	sbr.rel @p0 .LBB2_9-.Ltmp3, $4  }
0x2d1: {  	[tilespmem:v8+s11+$0x0] =	vst.idx.msk $0xffff, v0  }
0x2d2: {  	v1 =	vor.u32 v21, v2;
	v3 =	vor.u32 v17, v2;
	[tilespmem:v9+s11+$0x0] =	vst.idx.msk $0xffff, v0  }
0x2d3: {  	v4 =	vor.u32 v18, v2;
	v5 =	vor.u32 v19, v2;
	v9 =	vld [tilespmem:$0x1FFA0];
	[tilespmem:v10+s11+$0x0] =	vst.idx.msk $0xffff, v0  }
0x2d4: {  	s19 =	sadd.s32 $0x1, s19;
	v6 =	vor.u32 v20, v2;
	v2 =	vor.u32 v22, v2;
	v10 =	vld [tilespmem:$0x1FFC0];
	[tilespmem:v11+s11+$0x0] =	vst.idx.msk $0xffff, v0;
	v11 =	vlaneseq.u32  }
0x2d5: {  	_ =	sdelay $0x3  }
0x2d6: {  	[tilespmem:v4+s11+$0x0] =	vst.idx.msk $0xffff, v0;
	s15 =	sadd.s32 $0x1, s15  }
0x2d7: {  	[tilespmem:v3+s11+$0x0] =	vst.idx.msk $0xffff, v0;
	p0 =	sne.s32 s15, $0x62  }
.Ltmp4:
0x2d8: {  	[tilespmem:v5+s11+$0x0] =	vst.idx.msk $0xffff, v0;
	(pc) =	sbr.rel @p0 .LBB2_6-.Ltmp4, $4  }
0x2d9: {  	s18 =	sadd.s32 s4, s18;
	[tilespmem:v6+s11+$0x0] =	vst.idx.msk $0xffff, v0  }
0x2da: {  	s18 =	sshll.u32 s18, $0x7;
	[tilespmem:v2+s11+$0x0] =	vst.idx.msk $0xffff, v0  }
0x2db: {  	s16 =	sadd.s32 $0x20, s16;
	s17 =	sadd.s32 $0x20, s17;
	s18 =	sadd.s32 s2, s18;
	[tilespmem:v1+s11+$0x0] =	vst.idx.msk $0xffff, v0  }
0x2dc: {  	v8 =	vld [tilespmem:$0x1FFF0];
	[hbm4b:s18+s3] =	stream.linear.scatter [tilespmem:s11], [sflag:$0x2], $0x4000, $0x38  }
0x2dd: {  	_ =	swait.ge [sflag:s12], $0x4000  }
0x2de: {  	[sflag:s12] =	ssyncset.done $0x0  }
0x2df: {  	[sflag:s12] =	ssyncadd.s32 $0xFFFFC000  }
0x2e0: {  	_ =	swait.ge [sflag:s13], $0x4000  }
0x2e1: {  	v13 =	vld [tilespmem:$0x1FC90]  }
0x2e2: {  	v14 =	vld [tilespmem:$0x1FCA0]  }
0x2e3: {  	v15 =	vld [tilespmem:$0x1FCB0]  }
0x2e4: {  	v16 =	vld [tilespmem:$0x1FCC0]  }
0x2e5: {  	v17 =	vld [tilespmem:$0x1FCD0]  }
0x2e6: {  	v20 =	vld [tilespmem:$0x1FCE0]  }
0x2e7: {  	v19 =	vld [tilespmem:$0x1FCF0]  }
0x2e8: {  	v23 =	vld [tilespmem:$0x1FD00]  }
0x2e9: {  	v18 =	vld [tilespmem:$0x1FD10]  }
0x2ea: {  	v26 =	vld [tilespmem:$0x1FD20]  }
0x2eb: {  	v21 =	vld [tilespmem:$0x1FD30]  }
0x2ec: {  	v22 =	vld [tilespmem:$0x1FD40]  }
0x2ed: {  	v29 =	vld [tilespmem:$0x1FD50]  }
0x2ee: {  	v24 =	vld [tilespmem:$0x1FD60]  }
0x2ef: {  	v25 =	vld [tilespmem:$0x1FD70]  }
0x2f0: {  	v31 =	vld [tilespmem:$0x1FD80]  }
0x2f1: {  	v32 =	vld [tilespmem:$0x1FD90]  }
0x2f2: {  	v28 =	vld [tilespmem:$0x1FDA0]  }
0x2f3: {  	v34 =	vld [tilespmem:$0x1FDB0]  }
0x2f4: {  	v35 =	vld [tilespmem:$0x1FDC0]  }
0x2f5: {  	v27 =	vld [tilespmem:$0x1FDD0]  }
0x2f6: {  	v41 =	vld [tilespmem:$0x1FDE0]  }
0x2f7: {  	v37 =	vld [tilespmem:$0x1FDF0]  }
0x2f8: {  	v38 =	vld [tilespmem:$0x1FE00]  }
0x2f9: {  	v40 =	vld [tilespmem:$0x1FE10]  }
0x2fa: {  	v57 =	vld [tilespmem:$0x1FE20]  }
0x2fb: {  	v30 =	vld [tilespmem:$0x1FE30]  }
0x2fc: {  	v44 =	vld [tilespmem:$0x1FE40]  }
0x2fd: {  	v36 =	vld [tilespmem:$0x1FE50]  }
0x2fe: {  	v33 =	vld [tilespmem:$0x1FE60]  }
0x2ff: {  	v43 =	vld [tilespmem:$0x1FE70]  }
0x300: {  	v63 =	vld [tilespmem:$0x1FE80]  }
0x301: {  	v60 =	vld [tilespmem:$0x1FE90]  }
0x302: {  	v46 =	vld [tilespmem:$0x1FEA0]  }
0x303: {  	v47 =	vld [tilespmem:$0x1FEB0]  }
0x304: {  	v39 =	vld [tilespmem:$0x1FEC0]  }
0x305: {  	v49 =	vld [tilespmem:$0x1FED0]  }
0x306: {  	v50 =	vld [tilespmem:$0x1FEE0]  }
0x307: {  	v42 =	vld [tilespmem:$0x1FEF0]  }
0x308: {  	v52 =	vld [tilespmem:$0x1FF00]  }
0x309: {  	v53 =	vld [tilespmem:$0x1FF10]  }
0x30a: {  	v45 =	vld [tilespmem:$0x1FF20]  }
0x30b: {  	v55 =	vld [tilespmem:$0x1FF30]  }
0x30c: {  	v56 =	vld [tilespmem:$0x1FF40]  }
0x30d: {  	v48 =	vld [tilespmem:$0x1FF50]  }
0x30e: {  	s14 =	sadd.s32 $0x1, s14;
	v58 =	vld [tilespmem:$0x1FF60]  }
0x30f: {  	p0 =	sne.s32 s14, s8;
	v59 =	vld [tilespmem:$0x1FF70]  }
.Ltmp5:
0x310: {  	v51 =	vld [tilespmem:$0x1FF80];
	(pc) =	sbr.rel @p0 .LBB2_1-.Ltmp5, $4  }
0x311: {  	v61 =	vld [tilespmem:$0x1FF90]  }
0x312: {  	v62 =	vld [tilespmem:$0x1FFB0]  }
0x313: {  	[sflag:s13] =	ssyncset.done $0x0;
	v54 =	vld [tilespmem:$0x1FFD0]  }
0x314: {  	v7 =	vld [tilespmem:$0x1FFE0];
	[sflag:s13] =	ssyncadd.s32 $0xFFFFC000  }
0x315: {  	_ =	sfence.sel $0x180000  }
0x316: {  	[bflag:$0x0] =	sbarrier.arrive $0xFFFF  }
0x317: {  	p0 =	sne.s32 s0, $0x0;
	_ =	strace $0x90000047  }
0x318: {  	s0 =	sadd.s32 @!p0 $0x100000, s1;
	[bflag:$0x2] =	sbarrier.arrive $0xFFFF  }
0x319: {  	[sflag:s0] =	ssyncadd.tile.s32 @!p0 $0x1;
	_ =	shalt  }
.Lfunc_end2:
_tile_overlayer_lowered:
.L_overlay_start_2:
0x31a: {  	(tag) =	ssettag $0x2  }
0x31b: {  	s0 =	rddreg [dreg:$0x0];
	s2 =	stileid.u32  }
0x31c: {  	s1 =	rddreg [dreg:$0x1];
	p0 =	sne.s32 s2, $0x0  }
0x31d: {  	s3 =	rddreg [dreg:$0x2];
	[bflag:$0x3] =	sbarrier.arrive $0xFFFF;
	s2 =	simm.s32 @!p0 $0x1C03  }
0x31e: {  	[timem:s3], [sflag:s2] =	dma.local @!p0 [hbm:s0], s1  }
0x31f: {  	s0 =	simm.s32 @!p0 $0x3  }
0x320: {  	_ =	swait.ge @!p0 [sflag:s0], s1  }
0x321: {  	s1 =	ssub.s32 @!p0 $0x0, s1;
	[sflag:s0] =	ssyncset.done @!p0 $0x0  }
0x322: {  	[sflag:s0] =	ssyncadd.s32 @!p0 s1  }
0x323: {  	[bflag:$0x3] =	sbarrier.arrive $0xFFFF  }
0x324: {  	_ =	shalt  }

</sc_bundles>
